<compile_context>
chip_gen: v7x
topology: tpu7x:2x2x1
jax: 0.10.2.dev20260603
libtpu: 0.0.44.dev20260713+nightly
codegen_flags: <defaults>
</compile_context>

<pallas_src>
import functools
import math

import jax
import jax.numpy as jnp
import numpy as np
from jax import lax
from jax.experimental import pallas as pl
from jax.experimental.pallas import tpu as pltpu
from jax.experimental.pallas import tpu_sc as plsc

_B, _T, _F, _E = 1024, 50, 26, 16
_D = _F * _E
_N = _B * _T * _F
_SCALE = math.sqrt(float(_D))

_NW = 32
_PERIOD = _T * _F
_CHUNK_B = 4
_CHUNK = _CHUNK_B * _PERIOD
_SUB = 100
_NSUB = _CHUNK // _SUB
_NCHUNK = _N // (_NW * _CHUNK)


def _pe_rows():
    pe = np.zeros((_T, _D), dtype=np.float32)
    pos = np.arange(_T, dtype=np.float32)[:, None]
    denom = np.exp(np.arange(0, _D, 2, dtype=np.float32) * (-np.log(10000.0) / _D))
    pe[:, 0::2] = np.sin(pos * denom)
    pe[:, 1::2] = np.cos(pos * denom)
    return jnp.asarray(pe.reshape(_PERIOD, _E))


def _sc_body(src_hbm, tgt_hbm, pe_hbm, table_hbm, out_src, out_tgt,
             pe_v, idx_v, rows_v, sem):
    wid = lax.axis_index("s") * 2 + lax.axis_index("c")
    pltpu.sync_copy(pe_hbm, pe_v)

    for idx_hbm, out_hbm in ((src_hbm, out_src), (tgt_hbm, out_tgt)):
        def chunk_body(c, carry, idx_hbm=idx_hbm, out_hbm=out_hbm):
            cid = wid * _NCHUNK + c
            n0 = cid * _CHUNK
            pltpu.sync_copy(idx_hbm.at[cid], idx_v)

            def fire(j, carry2):
                pltpu.async_copy(table_hbm.at[idx_v.at[j]],
                                 rows_v.at[pl.ds(j * _SUB, _SUB)], sem)
                return carry2
            lax.fori_loop(0, _NSUB, fire, 0)
            pltpu.make_async_copy(out_hbm.at[pl.ds(0, _CHUNK)], rows_v,
                                  sem).wait()

            def comp(i, carry2):
                p = pe_v[i]
                for h in range(_CHUNK_B):
                    r = rows_v[h * _PERIOD + i]
                    rows_v[h * _PERIOD + i] = r * _SCALE + p
                return carry2
            lax.fori_loop(0, _PERIOD, comp, 0)

            pltpu.sync_copy(rows_v, out_hbm.at[pl.ds(n0, _CHUNK)])
            return carry
        lax.fori_loop(0, _NCHUNK, chunk_body, 0)


def kernel(src, tgt, table):
    src_i = src.reshape(_N // _CHUNK, _NSUB, _SUB)
    tgt_i = tgt.reshape(_N // _CHUNK, _NSUB, _SUB)
    pe = _pe_rows()

    mesh = plsc.VectorSubcoreMesh(core_axis_name="c", subcore_axis_name="s")
    f = functools.partial(
        pl.kernel,
        mesh=mesh,
        compiler_params=pltpu.CompilerParams(use_tc_tiling_on_sc=False),
        out_type=[jax.ShapeDtypeStruct((_N, _E), jnp.float32),
                  jax.ShapeDtypeStruct((_N, _E), jnp.float32)],
        scratch_types=[
            pltpu.VMEM((_PERIOD, _E), jnp.float32),
            pltpu.VMEM((_NSUB, _SUB), jnp.int32),
            pltpu.VMEM((_CHUNK, _E), jnp.float32),
            pltpu.SemaphoreType.DMA,
        ],
    )(_sc_body)
    out_s, out_t = f(src_i, tgt_i, pe, table)
    return out_s.reshape(_B, _T, _D), out_t.reshape(_B, _T, _D)

# --- scband reference (transcript-rebuilt; emitter-appended) ---
"""Pipeline reference for scband-multi-var-input-encoding-21311627723456 (READ-ONLY COPY).

The authoritative reference and input builder live on the scoring server;
editing this copy changes nothing except your own understanding.
"""

import jax, jax.numpy as jnp
import numpy as np

B, T, F, E = 1024, 50, 26, 16
V = 1000000
D = F * E  # 416


def _pos_encoding(seq_len, d):
    pe = np.zeros((seq_len, d), dtype=np.float32)
    pos = np.arange(seq_len, dtype=np.float32)[:, None]
    denom = np.exp(np.arange(0, d, 2, dtype=np.float32) * (-np.log(10000.0) / d))
    pe[:, 0::2] = np.sin(pos * denom)
    pe[:, 1::2] = np.cos(pos * denom)
    return jnp.asarray(pe)[None, :, :]


def setup_inputs(seed: int = 0):
    key = jax.random.key(seed)
    k1, k2, k3 = jax.random.split(key, 3)
    src = jax.random.randint(k1, (B, T, F), 0, V, dtype=jnp.int32)
    tgt = jax.random.randint(k2, (B, T, F), 0, V, dtype=jnp.int32)
    table = jax.random.normal(k3, (V, E), dtype=jnp.float32)
    return {"src": src, "tgt": tgt, "table": table}


def reference(src, tgt, table):
    pe = _pos_encoding(T, D)
    # token embedding lookup (gather) for src and tgt
    src_e = jnp.take(table, src, axis=0).reshape(B, T, D)
    tgt_e = jnp.take(table, tgt, axis=0).reshape(B, T, D)
    scale = np.sqrt(float(D))
    src_enc = src_e * scale + pe[:, :T, :]
    tgt_enc = tgt_e * scale + pe[:, :T, :]
    # dropout is identity in eval mode
    return (src_enc, tgt_enc)

if __name__ == "__main__":
    import jax
    _d = setup_inputs()
    print(jax.jit(kernel)(*tuple(_d.values())))

</pallas_src>

<mosaic_0001>
#map = affine_map<(d0, d1) -> (0, 0, 0)>
#map1 = affine_map<(d0, d1) -> (0, 0)>
module attributes {stable_mosaic.version = 14 : i64} {
  func.func @_sc_body(%arg0: i32, %arg1: i32, %arg2: memref<256x52x100xi32, #tpu.memory_space<hbm>>, %arg3: memref<256x52x100xi32, #tpu.memory_space<hbm>>, %arg4: memref<1300x16xf32, #tpu.memory_space<hbm>>, %arg5: memref<1000000x16xf32, #tpu.memory_space<hbm>>, %arg6: memref<1331200x16xf32, #tpu.memory_space<hbm>>, %arg7: memref<1331200x16xf32, #tpu.memory_space<hbm>>, %arg8: memref<1300x16xf32, #tpu.memory_space<vmem>>, %arg9: memref<52x100xi32, #tpu.memory_space<vmem>>, %arg10: memref<5200x16xf32, #tpu.memory_space<vmem>>, %arg11: memref<!tpu.dma_semaphore, #tpu.memory_space<semaphore_mem>>) attributes {dimension_semantics = [#tpu.dimension_semantics<core_parallel>, #tpu.dimension_semantics<subcore_parallel>], iteration_bounds = array<i64: 2, 16>, scalar_prefetch = 0 : i64, scratch_operands = 4 : i64, tpu.core_type = #tpu.core_type<sc_vector_subcore>, window_params = [{transform_indices = #map}, {transform_indices = #map}, {transform_indices = #map1}, {transform_indices = #map1}, {transform_indices = #map1}, {transform_indices = #map1}]} {
    %mul3A = arith.constant 2 : i32
    %mul3A_0 = arith.muli %arg1, %mul3A : i32
    %add3A = arith.addi %mul3A_0, %arg0 : i32
    "tpu.region"() ({
      %run_scoped3A = tpu.sem_alloc : memref<!tpu.dma_semaphore, #tpu.memory_space<semaphore_mem>>
      tpu.enqueue_dma source(%arg4 : memref<1300x16xf32, #tpu.memory_space<hbm>>) target(%arg8 : memref<1300x16xf32, #tpu.memory_space<vmem>>) target_semaphore(%run_scoped3A : memref<!tpu.dma_semaphore, #tpu.memory_space<semaphore_mem>>)
      tpu.wait_dma2 semaphore(%run_scoped3A : memref<!tpu.dma_semaphore, #tpu.memory_space<semaphore_mem>>) src(%arg4 : memref<1300x16xf32, #tpu.memory_space<hbm>>) dst(%arg8 : memref<1300x16xf32, #tpu.memory_space<vmem>>)
      tpu.yield
    }) : () -> ()
    %scan3A = arith.constant 0 : i32
    %scan3A_1 = arith.constant 0 : i32
    %scan3A_2 = arith.constant 8 : i32
    %scan3A_3 = arith.addi %scan3A_1, %scan3A_2 : i32
    %scan3A_4 = arith.constant 1 : i32
    scf.for %scan3A_12 = %scan3A_1 to %scan3A_3 step %scan3A_4  : i32 {
      %mul3A_13 = arith.constant 8 : i32
      %mul3A_14 = arith.muli %add3A, %mul3A_13 : i32
      %add3A_15 = arith.addi %mul3A_14, %scan3A_12 : i32
      %mul3A_16 = arith.constant 5200 : i32
      %mul3A_17 = arith.muli %add3A_15, %mul3A_16 : i32
      "tpu.region"() ({
        %run_scoped3A = tpu.sem_alloc : memref<!tpu.dma_semaphore, #tpu.memory_space<semaphore_mem>>
        %dma_start3A = arith.constant 0 : i32
        %dma_start3A_35 = arith.constant 0 : i32
        %dma_start3A_36 = tpu.memref_slice %arg2[%add3A_15, %dma_start3A, %dma_start3A_35] : memref<256x52x100xi32, #tpu.memory_space<hbm>> -> memref<1x52x100xi32, #tpu.memory_space<hbm>>
        %dma_start3A_37 = tpu.memref_squeeze %dma_start3A_36 : memref<1x52x100xi32, #tpu.memory_space<hbm>> -> memref<52x100xi32, #tpu.memory_space<hbm>>
        %dma_start3A_38 = arith.constant 0 : i32
        %dma_start3A_39 = arith.constant 0 : i32
        %dma_start3A_40 = tpu.memref_slice %arg2[%add3A_15, %dma_start3A_38, %dma_start3A_39] : memref<256x52x100xi32, #tpu.memory_space<hbm>> -> memref<1x52x100xi32, #tpu.memory_space<hbm>>
        %dma_start3A_41 = tpu.memref_squeeze %dma_start3A_40 : memref<1x52x100xi32, #tpu.memory_space<hbm>> -> memref<52x100xi32, #tpu.memory_space<hbm>>
        tpu.enqueue_dma source(%dma_start3A_41 : memref<52x100xi32, #tpu.memory_space<hbm>>) target(%arg9 : memref<52x100xi32, #tpu.memory_space<vmem>>) target_semaphore(%run_scoped3A : memref<!tpu.dma_semaphore, #tpu.memory_space<semaphore_mem>>)
        %dma_wait3A_42 = arith.constant 0 : i32
        %dma_wait3A_43 = arith.constant 0 : i32
        %dma_wait3A_44 = tpu.memref_slice %arg2[%add3A_15, %dma_wait3A_42, %dma_wait3A_43] : memref<256x52x100xi32, #tpu.memory_space<hbm>> -> memref<1x52x100xi32, #tpu.memory_space<hbm>>
        %dma_wait3A_45 = tpu.memref_squeeze %dma_wait3A_44 : memref<1x52x100xi32, #tpu.memory_space<hbm>> -> memref<52x100xi32, #tpu.memory_space<hbm>>
        %dma_wait3A_46 = arith.constant 0 : i32
        %dma_wait3A_47 = arith.constant 0 : i32
        %dma_wait3A_48 = tpu.memref_slice %arg2[%add3A_15, %dma_wait3A_46, %dma_wait3A_47] : memref<256x52x100xi32, #tpu.memory_space<hbm>> -> memref<1x52x100xi32, #tpu.memory_space<hbm>>
        %dma_wait3A_49 = tpu.memref_squeeze %dma_wait3A_48 : memref<1x52x100xi32, #tpu.memory_space<hbm>> -> memref<52x100xi32, #tpu.memory_space<hbm>>
        tpu.wait_dma2 semaphore(%run_scoped3A : memref<!tpu.dma_semaphore, #tpu.memory_space<semaphore_mem>>) src(%dma_wait3A_49 : memref<52x100xi32, #tpu.memory_space<hbm>>) dst(%arg9 : memref<52x100xi32, #tpu.memory_space<vmem>>)
        tpu.yield
      }) : () -> ()
      %scan3A_18 = arith.constant 0 : i32
      %scan3A_19 = arith.constant 0 : i32
      %scan3A_20 = arith.constant 52 : i32
      %scan3A_21 = arith.addi %scan3A_19, %scan3A_20 : i32
      %scan3A_22 = arith.constant 1 : i32
      scf.for %scan3A_35 = %scan3A_19 to %scan3A_21 step %scan3A_22  : i32 {
        %mul3A_36 = arith.constant 100 : i32
        %mul3A_37 = arith.muli %scan3A_35, %mul3A_36 : i32
        %dma_start3A = arith.constant 0 : i32
        %dma_start3A_38 = tpu.memref_slice %arg10[%mul3A_37, %dma_start3A] : memref<5200x16xf32, #tpu.memory_space<vmem>> -> memref<100x16xf32, #tpu.memory_space<vmem>>
        %dma_start3A_39 = arith.constant 0 : i32
        %dma_start3A_40 = tpu.memref_slice %arg9[%scan3A_35, %dma_start3A_39] : memref<52x100xi32, #tpu.memory_space<vmem>> -> memref<1x100xi32, #tpu.memory_space<vmem>>
        %dma_start3A_41 = tpu.memref_squeeze %dma_start3A_40 : memref<1x100xi32, #tpu.memory_space<vmem>> -> memref<100xi32, #tpu.memory_space<vmem>>
        %dma_start3A_42 = arith.constant 0 : i32
        %dma_start3A_43 = arith.constant 0 : i32
        %dma_start3A_44 = tpu.memref_slice %arg5[%dma_start3A_42, %dma_start3A_43] : memref<1000000x16xf32, #tpu.memory_space<hbm>> -> memref<1000000x16xf32, #tpu.memory_space<hbm>>
        tpu.enqueue_indirect_dma source(%dma_start3A_44 : memref<1000000x16xf32, #tpu.memory_space<hbm>>) target(%dma_start3A_38 : memref<100x16xf32, #tpu.memory_space<vmem>>) offsets(%dma_start3A_41 : memref<100xi32, #tpu.memory_space<vmem>>) semaphore(%arg11 : memref<!tpu.dma_semaphore, #tpu.memory_space<semaphore_mem>>)
      }
      %scan3A_23 = arith.constant 52 : i32
      %dma_wait3A = arith.constant 0 : i32
      %dma_wait3A_24 = arith.constant 0 : i32
      %dma_wait3A_25 = tpu.memref_slice %arg6[%dma_wait3A, %dma_wait3A_24] : memref<1331200x16xf32, #tpu.memory_space<hbm>> -> memref<5200x16xf32, #tpu.memory_space<hbm>>
      %dma_wait3A_26 = arith.constant 0 : i32
      %dma_wait3A_27 = arith.constant 0 : i32
      %dma_wait3A_28 = tpu.memref_slice %arg6[%dma_wait3A_26, %dma_wait3A_27] : memref<1331200x16xf32, #tpu.memory_space<hbm>> -> memref<5200x16xf32, #tpu.memory_space<hbm>>
      tpu.wait_dma2 semaphore(%arg11 : memref<!tpu.dma_semaphore, #tpu.memory_space<semaphore_mem>>) src(%dma_wait3A_28 : memref<5200x16xf32, #tpu.memory_space<hbm>>) dst(%arg10 : memref<5200x16xf32, #tpu.memory_space<vmem>>)
      %scan3A_29 = arith.constant 0 : i32
      %scan3A_30 = arith.constant 0 : i32
      %scan3A_31 = arith.constant 1300 : i32
      %scan3A_32 = arith.addi %scan3A_30, %scan3A_31 : i32
      %scan3A_33 = arith.constant 1 : i32
      scf.for %scan3A_35 = %scan3A_30 to %scan3A_32 step %scan3A_33  : i32 {
        %get3A = arith.index_cast %scan3A_35 : i32 to index
        %get3A_36 = arith.constant 0 : index
        %get3A_37 = tpu.vector_load %arg8[%get3A, %get3A_36] {strides = array<i32>} : memref<1300x16xf32, #tpu.memory_space<vmem>>, vector<1x16xf32>,
        %get3A_38 = vector.shape_cast %get3A_37 : vector<1x16xf32> to vector<16xf32>
        %add3A_39 = arith.constant 0 : i32
        %add3A_40 = arith.addi %add3A_39, %scan3A_35 : i32
        %get3A_41 = arith.index_cast %add3A_40 : i32 to index
        %get3A_42 = arith.constant 0 : index
        %get3A_43 = tpu.vector_load %arg10[%get3A_41, %get3A_42] {strides = array<i32>} : memref<5200x16xf32, #tpu.memory_space<vmem>>, vector<1x16xf32>,
        %get3A_44 = vector.shape_cast %get3A_43 : vector<1x16xf32> to vector<16xf32>
        %mul3A_45 = arith.constant 20.3960781 : f32
        %mul3A_46 = vector.broadcast %mul3A_45 : f32 to vector<16xf32>
        %mul3A_47 = arith.mulf %get3A_44, %mul3A_46 : vector<16xf32>
        %add3A_48 = arith.addf %mul3A_47, %get3A_38 : vector<16xf32>
        %add3A_49 = arith.constant 0 : i32
        %add3A_50 = arith.addi %add3A_49, %scan3A_35 : i32
        %swap3A = arith.index_cast %add3A_50 : i32 to index
        %swap3A_51 = arith.constant 0 : index
        %swap3A_52 = tpu.vector_load %arg10[%swap3A, %swap3A_51] {strides = array<i32>} : memref<5200x16xf32, #tpu.memory_space<vmem>>, vector<1x16xf32>,
        %swap3A_53 = vector.shape_cast %swap3A_52 : vector<1x16xf32> to vector<16xf32>
        %swap3A_54 = vector.shape_cast %add3A_48 : vector<16xf32> to vector<1x16xf32>
        tpu.vector_store %arg10[%swap3A, %swap3A_51], %swap3A_54 {strides = array<i32>} : memref<5200x16xf32, #tpu.memory_space<vmem>>, vector<1x16xf32>,
        %add3A_55 = arith.constant 1300 : i32
        %add3A_56 = arith.addi %add3A_55, %scan3A_35 : i32
        %get3A_57 = arith.index_cast %add3A_56 : i32 to index
        %get3A_58 = arith.constant 0 : index
        %get3A_59 = tpu.vector_load %arg10[%get3A_57, %get3A_58] {strides = array<i32>} : memref<5200x16xf32, #tpu.memory_space<vmem>>, vector<1x16xf32>,
        %get3A_60 = vector.shape_cast %get3A_59 : vector<1x16xf32> to vector<16xf32>
        %mul3A_61 = arith.constant 20.3960781 : f32
        %mul3A_62 = vector.broadcast %mul3A_61 : f32 to vector<16xf32>
        %mul3A_63 = arith.mulf %get3A_60, %mul3A_62 : vector<16xf32>
        %add3A_64 = arith.addf %mul3A_63, %get3A_38 : vector<16xf32>
        %add3A_65 = arith.constant 1300 : i32
        %add3A_66 = arith.addi %add3A_65, %scan3A_35 : i32
        %swap3A_67 = arith.index_cast %add3A_66 : i32 to index
        %swap3A_68 = arith.constant 0 : index
        %swap3A_69 = tpu.vector_load %arg10[%swap3A_67, %swap3A_68] {strides = array<i32>} : memref<5200x16xf32, #tpu.memory_space<vmem>>, vector<1x16xf32>,
        %swap3A_70 = vector.shape_cast %swap3A_69 : vector<1x16xf32> to vector<16xf32>
        %swap3A_71 = vector.shape_cast %add3A_64 : vector<16xf32> to vector<1x16xf32>
        tpu.vector_store %arg10[%swap3A_67, %swap3A_68], %swap3A_71 {strides = array<i32>} : memref<5200x16xf32, #tpu.memory_space<vmem>>, vector<1x16xf32>,
        %add3A_72 = arith.constant 2600 : i32
        %add3A_73 = arith.addi %add3A_72, %scan3A_35 : i32
        %get3A_74 = arith.index_cast %add3A_73 : i32 to index
        %get3A_75 = arith.constant 0 : index
        %get3A_76 = tpu.vector_load %arg10[%get3A_74, %get3A_75] {strides = array<i32>} : memref<5200x16xf32, #tpu.memory_space<vmem>>, vector<1x16xf32>,
        %get3A_77 = vector.shape_cast %get3A_76 : vector<1x16xf32> to vector<16xf32>
        %mul3A_78 = arith.constant 20.3960781 : f32
        %mul3A_79 = vector.broadcast %mul3A_78 : f32 to vector<16xf32>
        %mul3A_80 = arith.mulf %get3A_77, %mul3A_79 : vector<16xf32>
        %add3A_81 = arith.addf %mul3A_80, %get3A_38 : vector<16xf32>
        %add3A_82 = arith.constant 2600 : i32
        %add3A_83 = arith.addi %add3A_82, %scan3A_35 : i32
        %swap3A_84 = arith.index_cast %add3A_83 : i32 to index
        %swap3A_85 = arith.constant 0 : index
        %swap3A_86 = tpu.vector_load %arg10[%swap3A_84, %swap3A_85] {strides = array<i32>} : memref<5200x16xf32, #tpu.memory_space<vmem>>, vector<1x16xf32>,
        %swap3A_87 = vector.shape_cast %swap3A_86 : vector<1x16xf32> to vector<16xf32>
        %swap3A_88 = vector.shape_cast %add3A_81 : vector<16xf32> to vector<1x16xf32>
        tpu.vector_store %arg10[%swap3A_84, %swap3A_85], %swap3A_88 {strides = array<i32>} : memref<5200x16xf32, #tpu.memory_space<vmem>>, vector<1x16xf32>,
        %add3A_89 = arith.constant 3900 : i32
        %add3A_90 = arith.addi %add3A_89, %scan3A_35 : i32
        %get3A_91 = arith.index_cast %add3A_90 : i32 to index
        %get3A_92 = arith.constant 0 : index
        %get3A_93 = tpu.vector_load %arg10[%get3A_91, %get3A_92] {strides = array<i32>} : memref<5200x16xf32, #tpu.memory_space<vmem>>, vector<1x16xf32>,
        %get3A_94 = vector.shape_cast %get3A_93 : vector<1x16xf32> to vector<16xf32>
        %mul3A_95 = arith.constant 20.3960781 : f32
        %mul3A_96 = vector.broadcast %mul3A_95 : f32 to vector<16xf32>
        %mul3A_97 = arith.mulf %get3A_94, %mul3A_96 : vector<16xf32>
        %add3A_98 = arith.addf %mul3A_97, %get3A_38 : vector<16xf32>
        %add3A_99 = arith.constant 3900 : i32
        %add3A_100 = arith.addi %add3A_99, %scan3A_35 : i32
        %swap3A_101 = arith.index_cast %add3A_100 : i32 to index
        %swap3A_102 = arith.constant 0 : index
        %swap3A_103 = tpu.vector_load %arg10[%swap3A_101, %swap3A_102] {strides = array<i32>} : memref<5200x16xf32, #tpu.memory_space<vmem>>, vector<1x16xf32>,
        %swap3A_104 = vector.shape_cast %swap3A_103 : vector<1x16xf32> to vector<16xf32>
        %swap3A_105 = vector.shape_cast %add3A_98 : vector<16xf32> to vector<1x16xf32>
        tpu.vector_store %arg10[%swap3A_101, %swap3A_102], %swap3A_105 {strides = array<i32>} : memref<5200x16xf32, #tpu.memory_space<vmem>>, vector<1x16xf32>,
      }
      %scan3A_34 = arith.constant 1300 : i32
      "tpu.region"() ({
        %run_scoped3A = tpu.sem_alloc : memref<!tpu.dma_semaphore, #tpu.memory_space<semaphore_mem>>
        %dma_start3A = arith.constant 0 : i32
        %dma_start3A_35 = tpu.memref_slice %arg6[%mul3A_17, %dma_start3A] : memref<1331200x16xf32, #tpu.memory_space<hbm>> -> memref<5200x16xf32, #tpu.memory_space<hbm>>
        %dma_start3A_36 = arith.constant 0 : i32
        %dma_start3A_37 = tpu.memref_slice %arg6[%mul3A_17, %dma_start3A_36] : memref<1331200x16xf32, #tpu.memory_space<hbm>> -> memref<5200x16xf32, #tpu.memory_space<hbm>>
        tpu.enqueue_dma source(%arg10 : memref<5200x16xf32, #tpu.memory_space<vmem>>) target(%dma_start3A_37 : memref<5200x16xf32, #tpu.memory_space<hbm>>) target_semaphore(%run_scoped3A : memref<!tpu.dma_semaphore, #tpu.memory_space<semaphore_mem>>)
        %dma_wait3A_38 = arith.constant 0 : i32
        %dma_wait3A_39 = tpu.memref_slice %arg6[%mul3A_17, %dma_wait3A_38] : memref<1331200x16xf32, #tpu.memory_space<hbm>> -> memref<5200x16xf32, #tpu.memory_space<hbm>>
        %dma_wait3A_40 = arith.constant 0 : i32
        %dma_wait3A_41 = tpu.memref_slice %arg6[%mul3A_17, %dma_wait3A_40] : memref<1331200x16xf32, #tpu.memory_space<hbm>> -> memref<5200x16xf32, #tpu.memory_space<hbm>>
        tpu.wait_dma2 semaphore(%run_scoped3A : memref<!tpu.dma_semaphore, #tpu.memory_space<semaphore_mem>>) src(%arg10 : memref<5200x16xf32, #tpu.memory_space<vmem>>) dst(%dma_wait3A_41 : memref<5200x16xf32, #tpu.memory_space<hbm>>)
        tpu.yield
      }) : () -> ()
    }
    %scan3A_5 = arith.constant 8 : i32
    %scan3A_6 = arith.constant 0 : i32
    %scan3A_7 = arith.constant 0 : i32
    %scan3A_8 = arith.constant 8 : i32
    %scan3A_9 = arith.addi %scan3A_7, %scan3A_8 : i32
    %scan3A_10 = arith.constant 1 : i32
    scf.for %scan3A_12 = %scan3A_7 to %scan3A_9 step %scan3A_10  : i32 {
      %mul3A_13 = arith.constant 8 : i32
      %mul3A_14 = arith.muli %add3A, %mul3A_13 : i32
      %add3A_15 = arith.addi %mul3A_14, %scan3A_12 : i32
      %mul3A_16 = arith.constant 5200 : i32
      %mul3A_17 = arith.muli %add3A_15, %mul3A_16 : i32
      "tpu.region"() ({
        %run_scoped3A = tpu.sem_alloc : memref<!tpu.dma_semaphore, #tpu.memory_space<semaphore_mem>>
        %dma_start3A = arith.constant 0 : i32
        %dma_start3A_35 = arith.constant 0 : i32
        %dma_start3A_36 = tpu.memref_slice %arg3[%add3A_15, %dma_start3A, %dma_start3A_35] : memref<256x52x100xi32, #tpu.memory_space<hbm>> -> memref<1x52x100xi32, #tpu.memory_space<hbm>>
        %dma_start3A_37 = tpu.memref_squeeze %dma_start3A_36 : memref<1x52x100xi32, #tpu.memory_space<hbm>> -> memref<52x100xi32, #tpu.memory_space<hbm>>
        %dma_start3A_38 = arith.constant 0 : i32
        %dma_start3A_39 = arith.constant 0 : i32
        %dma_start3A_40 = tpu.memref_slice %arg3[%add3A_15, %dma_start3A_38, %dma_start3A_39] : memref<256x52x100xi32, #tpu.memory_space<hbm>> -> memref<1x52x100xi32, #tpu.memory_space<hbm>>
        %dma_start3A_41 = tpu.memref_squeeze %dma_start3A_40 : memref<1x52x100xi32, #tpu.memory_space<hbm>> -> memref<52x100xi32, #tpu.memory_space<hbm>>
        tpu.enqueue_dma source(%dma_start3A_41 : memref<52x100xi32, #tpu.memory_space<hbm>>) target(%arg9 : memref<52x100xi32, #tpu.memory_space<vmem>>) target_semaphore(%run_scoped3A : memref<!tpu.dma_semaphore, #tpu.memory_space<semaphore_mem>>)
        %dma_wait3A_42 = arith.constant 0 : i32
        %dma_wait3A_43 = arith.constant 0 : i32
        %dma_wait3A_44 = tpu.memref_slice %arg3[%add3A_15, %dma_wait3A_42, %dma_wait3A_43] : memref<256x52x100xi32, #tpu.memory_space<hbm>> -> memref<1x52x100xi32, #tpu.memory_space<hbm>>
        %dma_wait3A_45 = tpu.memref_squeeze %dma_wait3A_44 : memref<1x52x100xi32, #tpu.memory_space<hbm>> -> memref<52x100xi32, #tpu.memory_space<hbm>>
        %dma_wait3A_46 = arith.constant 0 : i32
        %dma_wait3A_47 = arith.constant 0 : i32
        %dma_wait3A_48 = tpu.memref_slice %arg3[%add3A_15, %dma_wait3A_46, %dma_wait3A_47] : memref<256x52x100xi32, #tpu.memory_space<hbm>> -> memref<1x52x100xi32, #tpu.memory_space<hbm>>
        %dma_wait3A_49 = tpu.memref_squeeze %dma_wait3A_48 : memref<1x52x100xi32, #tpu.memory_space<hbm>> -> memref<52x100xi32, #tpu.memory_space<hbm>>
        tpu.wait_dma2 semaphore(%run_scoped3A : memref<!tpu.dma_semaphore, #tpu.memory_space<semaphore_mem>>) src(%dma_wait3A_49 : memref<52x100xi32, #tpu.memory_space<hbm>>) dst(%arg9 : memref<52x100xi32, #tpu.memory_space<vmem>>)
        tpu.yield
      }) : () -> ()
      %scan3A_18 = arith.constant 0 : i32
      %scan3A_19 = arith.constant 0 : i32
      %scan3A_20 = arith.constant 52 : i32
      %scan3A_21 = arith.addi %scan3A_19, %scan3A_20 : i32
      %scan3A_22 = arith.constant 1 : i32
      scf.for %scan3A_35 = %scan3A_19 to %scan3A_21 step %scan3A_22  : i32 {
        %mul3A_36 = arith.constant 100 : i32
        %mul3A_37 = arith.muli %scan3A_35, %mul3A_36 : i32
        %dma_start3A = arith.constant 0 : i32
        %dma_start3A_38 = tpu.memref_slice %arg10[%mul3A_37, %dma_start3A] : memref<5200x16xf32, #tpu.memory_space<vmem>> -> memref<100x16xf32, #tpu.memory_space<vmem>>
        %dma_start3A_39 = arith.constant 0 : i32
        %dma_start3A_40 = tpu.memref_slice %arg9[%scan3A_35, %dma_start3A_39] : memref<52x100xi32, #tpu.memory_space<vmem>> -> memref<1x100xi32, #tpu.memory_space<vmem>>
        %dma_start3A_41 = tpu.memref_squeeze %dma_start3A_40 : memref<1x100xi32, #tpu.memory_space<vmem>> -> memref<100xi32, #tpu.memory_space<vmem>>
        %dma_start3A_42 = arith.constant 0 : i32
        %dma_start3A_43 = arith.constant 0 : i32
        %dma_start3A_44 = tpu.memref_slice %arg5[%dma_start3A_42, %dma_start3A_43] : memref<1000000x16xf32, #tpu.memory_space<hbm>> -> memref<1000000x16xf32, #tpu.memory_space<hbm>>
        tpu.enqueue_indirect_dma source(%dma_start3A_44 : memref<1000000x16xf32, #tpu.memory_space<hbm>>) target(%dma_start3A_38 : memref<100x16xf32, #tpu.memory_space<vmem>>) offsets(%dma_start3A_41 : memref<100xi32, #tpu.memory_space<vmem>>) semaphore(%arg11 : memref<!tpu.dma_semaphore, #tpu.memory_space<semaphore_mem>>)
      }
      %scan3A_23 = arith.constant 52 : i32
      %dma_wait3A = arith.constant 0 : i32
      %dma_wait3A_24 = arith.constant 0 : i32
      %dma_wait3A_25 = tpu.memref_slice %arg7[%dma_wait3A, %dma_wait3A_24] : memref<1331200x16xf32, #tpu.memory_space<hbm>> -> memref<5200x16xf32, #tpu.memory_space<hbm>>
      %dma_wait3A_26 = arith.constant 0 : i32
      %dma_wait3A_27 = arith.constant 0 : i32
      %dma_wait3A_28 = tpu.memref_slice %arg7[%dma_wait3A_26, %dma_wait3A_27] : memref<1331200x16xf32, #tpu.memory_space<hbm>> -> memref<5200x16xf32, #tpu.memory_space<hbm>>
      tpu.wait_dma2 semaphore(%arg11 : memref<!tpu.dma_semaphore, #tpu.memory_space<semaphore_mem>>) src(%dma_wait3A_28 : memref<5200x16xf32, #tpu.memory_space<hbm>>) dst(%arg10 : memref<5200x16xf32, #tpu.memory_space<vmem>>)
      %scan3A_29 = arith.constant 0 : i32
      %scan3A_30 = arith.constant 0 : i32
      %scan3A_31 = arith.constant 1300 : i32
      %scan3A_32 = arith.addi %scan3A_30, %scan3A_31 : i32
      %scan3A_33 = arith.constant 1 : i32
      scf.for %scan3A_35 = %scan3A_30 to %scan3A_32 step %scan3A_33  : i32 {
        %get3A = arith.index_cast %scan3A_35 : i32 to index
        %get3A_36 = arith.constant 0 : index
        %get3A_37 = tpu.vector_load %arg8[%get3A, %get3A_36] {strides = array<i32>} : memref<1300x16xf32, #tpu.memory_space<vmem>>, vector<1x16xf32>,
        %get3A_38 = vector.shape_cast %get3A_37 : vector<1x16xf32> to vector<16xf32>
        %add3A_39 = arith.constant 0 : i32
        %add3A_40 = arith.addi %add3A_39, %scan3A_35 : i32
        %get3A_41 = arith.index_cast %add3A_40 : i32 to index
        %get3A_42 = arith.constant 0 : index
        %get3A_43 = tpu.vector_load %arg10[%get3A_41, %get3A_42] {strides = array<i32>} : memref<5200x16xf32, #tpu.memory_space<vmem>>, vector<1x16xf32>,
        %get3A_44 = vector.shape_cast %get3A_43 : vector<1x16xf32> to vector<16xf32>
        %mul3A_45 = arith.constant 20.3960781 : f32
        %mul3A_46 = vector.broadcast %mul3A_45 : f32 to vector<16xf32>
        %mul3A_47 = arith.mulf %get3A_44, %mul3A_46 : vector<16xf32>
        %add3A_48 = arith.addf %mul3A_47, %get3A_38 : vector<16xf32>
        %add3A_49 = arith.constant 0 : i32
        %add3A_50 = arith.addi %add3A_49, %scan3A_35 : i32
        %swap3A = arith.index_cast %add3A_50 : i32 to index
        %swap3A_51 = arith.constant 0 : index
        %swap3A_52 = tpu.vector_load %arg10[%swap3A, %swap3A_51] {strides = array<i32>} : memref<5200x16xf32, #tpu.memory_space<vmem>>, vector<1x16xf32>,
        %swap3A_53 = vector.shape_cast %swap3A_52 : vector<1x16xf32> to vector<16xf32>
        %swap3A_54 = vector.shape_cast %add3A_48 : vector<16xf32> to vector<1x16xf32>
        tpu.vector_store %arg10[%swap3A, %swap3A_51], %swap3A_54 {strides = array<i32>} : memref<5200x16xf32, #tpu.memory_space<vmem>>, vector<1x16xf32>,
        %add3A_55 = arith.constant 1300 : i32
        %add3A_56 = arith.addi %add3A_55, %scan3A_35 : i32
        %get3A_57 = arith.index_cast %add3A_56 : i32 to index
        %get3A_58 = arith.constant 0 : index
        %get3A_59 = tpu.vector_load %arg10[%get3A_57, %get3A_58] {strides = array<i32>} : memref<5200x16xf32, #tpu.memory_space<vmem>>, vector<1x16xf32>,
        %get3A_60 = vector.shape_cast %get3A_59 : vector<1x16xf32> to vector<16xf32>
        %mul3A_61 = arith.constant 20.3960781 : f32
        %mul3A_62 = vector.broadcast %mul3A_61 : f32 to vector<16xf32>
        %mul3A_63 = arith.mulf %get3A_60, %mul3A_62 : vector<16xf32>
        %add3A_64 = arith.addf %mul3A_63, %get3A_38 : vector<16xf32>
        %add3A_65 = arith.constant 1300 : i32
        %add3A_66 = arith.addi %add3A_65, %scan3A_35 : i32
        %swap3A_67 = arith.index_cast %add3A_66 : i32 to index
        %swap3A_68 = arith.constant 0 : index
        %swap3A_69 = tpu.vector_load %arg10[%swap3A_67, %swap3A_68] {strides = array<i32>} : memref<5200x16xf32, #tpu.memory_space<vmem>>, vector<1x16xf32>,
        %swap3A_70 = vector.shape_cast %swap3A_69 : vector<1x16xf32> to vector<16xf32>
        %swap3A_71 = vector.shape_cast %add3A_64 : vector<16xf32> to vector<1x16xf32>
        tpu.vector_store %arg10[%swap3A_67, %swap3A_68], %swap3A_71 {strides = array<i32>} : memref<5200x16xf32, #tpu.memory_space<vmem>>, vector<1x16xf32>,
        %add3A_72 = arith.constant 2600 : i32
        %add3A_73 = arith.addi %add3A_72, %scan3A_35 : i32
        %get3A_74 = arith.index_cast %add3A_73 : i32 to index
        %get3A_75 = arith.constant 0 : index
        %get3A_76 = tpu.vector_load %arg10[%get3A_74, %get3A_75] {strides = array<i32>} : memref<5200x16xf32, #tpu.memory_space<vmem>>, vector<1x16xf32>,
        %get3A_77 = vector.shape_cast %get3A_76 : vector<1x16xf32> to vector<16xf32>
        %mul3A_78 = arith.constant 20.3960781 : f32
        %mul3A_79 = vector.broadcast %mul3A_78 : f32 to vector<16xf32>
        %mul3A_80 = arith.mulf %get3A_77, %mul3A_79 : vector<16xf32>
        %add3A_81 = arith.addf %mul3A_80, %get3A_38 : vector<16xf32>
        %add3A_82 = arith.constant 2600 : i32
        %add3A_83 = arith.addi %add3A_82, %scan3A_35 : i32
        %swap3A_84 = arith.index_cast %add3A_83 : i32 to index
        %swap3A_85 = arith.constant 0 : index
        %swap3A_86 = tpu.vector_load %arg10[%swap3A_84, %swap3A_85] {strides = array<i32>} : memref<5200x16xf32, #tpu.memory_space<vmem>>, vector<1x16xf32>,
        %swap3A_87 = vector.shape_cast %swap3A_86 : vector<1x16xf32> to vector<16xf32>
        %swap3A_88 = vector.shape_cast %add3A_81 : vector<16xf32> to vector<1x16xf32>
        tpu.vector_store %arg10[%swap3A_84, %swap3A_85], %swap3A_88 {strides = array<i32>} : memref<5200x16xf32, #tpu.memory_space<vmem>>, vector<1x16xf32>,
        %add3A_89 = arith.constant 3900 : i32
        %add3A_90 = arith.addi %add3A_89, %scan3A_35 : i32
        %get3A_91 = arith.index_cast %add3A_90 : i32 to index
        %get3A_92 = arith.constant 0 : index
        %get3A_93 = tpu.vector_load %arg10[%get3A_91, %get3A_92] {strides = array<i32>} : memref<5200x16xf32, #tpu.memory_space<vmem>>, vector<1x16xf32>,
        %get3A_94 = vector.shape_cast %get3A_93 : vector<1x16xf32> to vector<16xf32>
        %mul3A_95 = arith.constant 20.3960781 : f32
        %mul3A_96 = vector.broadcast %mul3A_95 : f32 to vector<16xf32>
        %mul3A_97 = arith.mulf %get3A_94, %mul3A_96 : vector<16xf32>
        %add3A_98 = arith.addf %mul3A_97, %get3A_38 : vector<16xf32>
        %add3A_99 = arith.constant 3900 : i32
        %add3A_100 = arith.addi %add3A_99, %scan3A_35 : i32
        %swap3A_101 = arith.index_cast %add3A_100 : i32 to index
        %swap3A_102 = arith.constant 0 : index
        %swap3A_103 = tpu.vector_load %arg10[%swap3A_101, %swap3A_102] {strides = array<i32>} : memref<5200x16xf32, #tpu.memory_space<vmem>>, vector<1x16xf32>,
        %swap3A_104 = vector.shape_cast %swap3A_103 : vector<1x16xf32> to vector<16xf32>
        %swap3A_105 = vector.shape_cast %add3A_98 : vector<16xf32> to vector<1x16xf32>
        tpu.vector_store %arg10[%swap3A_101, %swap3A_102], %swap3A_105 {strides = array<i32>} : memref<5200x16xf32, #tpu.memory_space<vmem>>, vector<1x16xf32>,
      }
      %scan3A_34 = arith.constant 1300 : i32
      "tpu.region"() ({
        %run_scoped3A = tpu.sem_alloc : memref<!tpu.dma_semaphore, #tpu.memory_space<semaphore_mem>>
        %dma_start3A = arith.constant 0 : i32
        %dma_start3A_35 = tpu.memref_slice %arg7[%mul3A_17, %dma_start3A] : memref<1331200x16xf32, #tpu.memory_space<hbm>> -> memref<5200x16xf32, #tpu.memory_space<hbm>>
        %dma_start3A_36 = arith.constant 0 : i32
        %dma_start3A_37 = tpu.memref_slice %arg7[%mul3A_17, %dma_start3A_36] : memref<1331200x16xf32, #tpu.memory_space<hbm>> -> memref<5200x16xf32, #tpu.memory_space<hbm>>
        tpu.enqueue_dma source(%arg10 : memref<5200x16xf32, #tpu.memory_space<vmem>>) target(%dma_start3A_37 : memref<5200x16xf32, #tpu.memory_space<hbm>>) target_semaphore(%run_scoped3A : memref<!tpu.dma_semaphore, #tpu.memory_space<semaphore_mem>>)
        %dma_wait3A_38 = arith.constant 0 : i32
        %dma_wait3A_39 = tpu.memref_slice %arg7[%mul3A_17, %dma_wait3A_38] : memref<1331200x16xf32, #tpu.memory_space<hbm>> -> memref<5200x16xf32, #tpu.memory_space<hbm>>
        %dma_wait3A_40 = arith.constant 0 : i32
        %dma_wait3A_41 = tpu.memref_slice %arg7[%mul3A_17, %dma_wait3A_40] : memref<1331200x16xf32, #tpu.memory_space<hbm>> -> memref<5200x16xf32, #tpu.memory_space<hbm>>
        tpu.wait_dma2 semaphore(%run_scoped3A : memref<!tpu.dma_semaphore, #tpu.memory_space<semaphore_mem>>) src(%arg10 : memref<5200x16xf32, #tpu.memory_space<vmem>>) dst(%dma_wait3A_41 : memref<5200x16xf32, #tpu.memory_space<hbm>>)
        tpu.yield
      }) : () -> ()
    }
    %scan3A_11 = arith.constant 8 : i32
    return
  }
}

</mosaic_0001>

<sc_bundles>
// kernel: kernel.3.cloned.1.call-start
scs
__scs_entry_jumppad:
0x0: {  	(pc) =	sbr.rel $0x88, $3  }
0x1: {  	(tag) =	ssettag $0x0;
	lr =	simm.s32 $0x1  }
0x2: {  	[smem:$0x3F9E] =	sst lr;
	_ =	strace $0xD0000000  }
0x3: {  	_ = 	snop  }
0x4: {  	_ = 	snop  }
0x5: {  	_ = 	snop  }
0x6: {  	_ = 	snop  }
0x7: {  	_ = 	snop  }
__scs_overlays_trampoline_lowered:
0x8: {  	[smem:$0x3FAD] =	sst s0  }
0x9: {  	[smem:$0x3FAE] =	sst s1  }
0xa: {  	[smem:$0x3FAF] =	sst s2  }
0xb: {  	[smem:$0x3FB0] =	sst s3  }
0xc: {  	[smem:$0x3FB1] =	sst s4  }
0xd: {  	[smem:$0x3FB2] =	sst s5  }
0xe: {  	[smem:$0x3FB3] =	sst s6  }
0xf: {  	[smem:$0x3FB4] =	sst s7  }
0x10: {  	[smem:$0x3FB5] =	sst s8  }
0x11: {  	[smem:$0x3FB6] =	sst s9;
	s0 =	simm.s32 @!p0 $0x0  }
0x12: {  	s1 =	sld [smem:$0x3F9C];
	s0 =	simm.s32 @p0 $0x1  }
0x13: {  	[smem:$0x3FB7] =	sst s0;
	s0 =	simm.s32 @!p1 $0x0  }
0x14: {  	s2 =	sld [smem:$0x3F9B];
	s0 =	simm.s32 @p1 $0x1  }
0x15: {  	[smem:$0x3FB8] =	sst s0;
	s0 =	simm.s32 @!p2 $0x0  }
0x16: {  	s3 =	sld [smem:$0x3FDB];
	s0 =	simm.s32 @p2 $0x1  }
0x17: {  	s4 =	simm.s32 $0x1BF5;
	[smem:$0x3FBA] =	sst s0  }
0x18: {  	s0 =	sld [smem:$0x3F9D];
	_ =	swait.ge [sflag:s4], $0x0  }
0x19: {  	s7 =	sld [smem:$0x3F9E]  }
0x1a: {  	s8 =	sadd.s32 $0xFFFFE003, lr  }
0x1b: {  	s9 =	sadd.s32 $0xFFFFFEF7, lr;
	s5 =	simm.s32 $0xFFFFFFFF;
	p2 =	slt.u32 s8, $0xFFFFF086  }
0x1c: {  	p1 =	slt.u32 s9, $0xF7A;
	s5 =	simm.s32 @!p2 $0x0  }
0x1d: {  	s5 =	simm.s32 @p1 $0x1;
	p0 =	seq.s32 s7, s2  }
0x1e: {  	s7 =	smul.u32 @!p0 $0xF7A, s2;
	p2 =	seq.s32 @!p0 s5, $0x0  }
0x1f: {  	s9 =	smul.u32 $0xF7A, s1;
	s8 =	simm.s32 @!p0 $0x1BF5;
	p2 =	por !p2, p0  }
0x20: {  	[sflag:s8] =	ssyncset.s32 @!p0 $0xFFFFF086;
	s6 =	sadd.s32 @!p0 s3, s7;
	s7 =	simm.s32 @!p0 $0x108  }
0x21: {  	s3 =	sadd.s32 s3, s9;
	s6 =	sadd.s32 @!p0 $0x88, s6;
	s7 =	simm.s32 @p2 $0x1082  }
0x22: {  	[simem:s7], [sflag:s8] =	dma.local @!p0 [hbm:s6], $0xF7A  }
0x23: {  	s9 =	sor.u32 $0xD0000000, s2;
	s6 =	simm.s32 $0x108;
	_ =	swait.ge @!p0 [sflag:s8], $0x0  }
0x24: {  	s3 =	sadd.s32 $0x88, s3;
	s6 =	simm.s32 @!p1 $0x1082;
	[sflag:s4] =	ssyncset.s32 $0xFFFFF086  }
0x25: {  	[simem:s6], [sflag:s4] =	dma.local [hbm:s3], $0xF7A  }
0x26: {  	[smem:$0x3F9E] =	sst s1;
	(tag) =	ssettag s2;
	_ =	strace s9  }
0x27: {  	s1 =	sld [smem:$0x3FAE]  }
0x28: {  	s2 =	sld [smem:$0x3FAF]  }
0x29: {  	s4 =	sld [smem:$0x3FB1]  }
0x2a: {  	p0 =	seq.s32 s5, $0x0;
	s5 =	sld [smem:$0x3FB2]  }
0x2b: {  	s6 =	sld [smem:$0x3FB3]  }
0x2c: {  	s7 =	sld [smem:$0x3FB4]  }
0x2d: {  	s3 =	simm.s32 $0x108;
	s8 =	sld [smem:$0x3FB5]  }
0x2e: {  	s3 =	simm.s32 @!p0 $0x1082;
	s9 =	sld [smem:$0x3FB6]  }
0x2f: {  	lr =	sadd.s32 s0, s3;
	s0 =	sld [smem:$0x3FAD]  }
0x30: {  	s3 =	sld [smem:$0x3FB0]  }
0x31: {  	[smem:$0x3FB9] =	sst s10  }
0x32: {  	s10 =	sld [smem:$0x3FB7];
	_ =	sdelay $0x3  }
0x33: {  	p0 =	seq.s32 s10, $0x1;
	s10 =	sld [smem:$0x3FB9];
	_ =	sdelay $0x3  }
0x34: {  	[smem:$0x3FB9] =	sst s10  }
0x35: {  	s10 =	sld [smem:$0x3FB8];
	_ =	sdelay $0x3  }
0x36: {  	p1 =	seq.s32 s10, $0x1;
	s10 =	sld [smem:$0x3FB9];
	_ =	sdelay $0x3  }
0x37: {  	[smem:$0x3FB9] =	sst s10  }
0x38: {  	s10 =	sld [smem:$0x3FBA]  }
0x39: {  	_ = 	snop;
	(pc) =	sbr.ind lr, $3  }
0x3a: {  	_ = 	snop  }
0x3b: {  	_ = 	snop  }
0x3c: {  	p2 =	seq.s32 s10, $0x1;
	s10 =	sld [smem:$0x3FB9]  }
0x3d: {  	_ =	shalt  }
0x3e: {  	_ =	shalt  }
0x3f: {  	_ =	shalt  }
0x40: {  	_ =	shalt  }
0x41: {  	_ =	shalt  }
0x42: {  	_ =	shalt  }
0x43: {  	_ =	shalt  }
0x44: {  	_ =	shalt  }
0x45: {  	_ =	shalt  }
0x46: {  	_ =	shalt  }
0x47: {  	_ =	shalt  }
0x48: {  	_ =	shalt  }
0x49: {  	_ =	shalt  }
0x4a: {  	_ =	shalt  }
0x4b: {  	_ =	shalt  }
0x4c: {  	_ =	shalt  }
0x4d: {  	_ =	shalt  }
0x4e: {  	_ =	shalt  }
0x4f: {  	_ =	shalt  }
0x50: {  	_ =	shalt  }
0x51: {  	_ =	shalt  }
0x52: {  	_ =	shalt  }
0x53: {  	_ =	shalt  }
0x54: {  	_ =	shalt  }
0x55: {  	_ =	shalt  }
0x56: {  	_ =	shalt  }
0x57: {  	_ =	shalt  }
0x58: {  	_ =	shalt  }
0x59: {  	_ =	shalt  }
0x5a: {  	_ =	shalt  }
0x5b: {  	_ =	shalt  }
0x5c: {  	_ =	shalt  }
0x5d: {  	_ =	shalt  }
0x5e: {  	_ =	shalt  }
0x5f: {  	_ =	shalt  }
0x60: {  	_ =	shalt  }
0x61: {  	_ =	shalt  }
0x62: {  	_ =	shalt  }
0x63: {  	_ =	shalt  }
0x64: {  	_ =	shalt  }
0x65: {  	_ =	shalt  }
0x66: {  	_ =	shalt  }
0x67: {  	_ =	shalt  }
0x68: {  	_ =	shalt  }
0x69: {  	_ =	shalt  }
0x6a: {  	_ =	shalt  }
0x6b: {  	_ =	shalt  }
0x6c: {  	_ =	shalt  }
0x6d: {  	_ =	shalt  }
0x6e: {  	_ =	shalt  }
0x6f: {  	_ =	shalt  }
0x70: {  	_ =	shalt  }
0x71: {  	_ =	shalt  }
0x72: {  	_ =	shalt  }
0x73: {  	_ =	shalt  }
0x74: {  	_ =	shalt  }
0x75: {  	_ =	shalt  }
0x76: {  	_ =	shalt  }
0x77: {  	_ =	shalt  }
0x78: {  	_ =	shalt  }
0x79: {  	_ =	shalt  }
0x7a: {  	_ =	shalt  }
0x7b: {  	_ =	shalt  }
0x7c: {  	_ =	shalt  }
0x7d: {  	_ =	shalt  }
0x7e: {  	_ =	shalt  }
0x7f: {  	_ =	shalt  }
0x80: {  	_ =	shalt  }
0x81: {  	_ =	shalt  }
0x82: {  	_ =	shalt  }
0x83: {  	_ =	shalt  }
0x84: {  	_ =	shalt  }
0x85: {  	_ =	shalt  }
0x86: {  	_ =	shalt  }
0x87: {  	_ =	shalt  }
.Lfunc_end0:
.L_simem_size_0:
called_computation.2_lowered:
.L_overlay_start_0:
0x88: {  	s2 =	sld [smem:$0x3FD9]  }
0x89: {  	s3 =	sld [smem:$0x3FFE];
	_ =	sdelay $0x1  }
0x8a: {  	s1 =	srdreg.scid  }
0x8b: {  	s0 =	sand.u32 $0x1, s1  }
0x8c: {  	s14 =	sshll.u32 s0, $0xA;
	s2 =	sadd.s32 s3, s2  }
0x8d: {  	s2 =	sadd.s32 s2, s14  }
0x8e: {  	[smem:$0x3FC5] =	sst s2  }
0x8f: {  	_ = 	snop  }
0x90: {  	s2 =	sld [smem:$0x3FD0];
	_ =	sdelay $0x2  }
0x91: {  	s15 =	simm.s32 $0xB;
	s4 =	simm.s32 $0x10  }
0x92: {  	[smem:s4], [sflag:s15] =	dma.local [hbm:s2], $0x1  }
0x93: {  	_ =	swait.eq [sflag:s15], $0x1  }
0x94: {  	[sflag:s15] =	ssyncset.done $0x0  }
0x95: {  	s16 =	sld [smem:$0x10];
	[sflag:s15] =	ssyncadd.s32 $0xFFFFFFFF  }
0x96: {  	s17 =	sld [smem:$0x11];
	(tm) =	ssettm $0x1  }
0x97: {  	s18 =	sld [smem:$0x3FFB];
	_ =	sdelay $0x3  }
0x98: {  	_ =	strace s18  }
0x99: {  	s4 =	sld [smem:$0x3FFC];
	_ =	sdelay $0x3  }
0x9a: {  	_ =	strace s4  }
0x9b: {  	s4 =	sld [smem:$0x3FFD];
	_ =	sdelay $0x3  }
0x9c: {  	_ =	strace s4  }
0x9d: {  	_ =	strace $0x8FFFFFFF  }
0x9e: {  	s19 =	sld [smem:$0x3FDB];
	_ =	sdelay $0x1  }
0x9f: {  	s5 =	simm.s32 $_scs_section_size  }
0xa0: {  	s6 =	simm.s32 $_size__tile_overlayer_lowered;
	s7 =	simm.s32 $_tile_overlayer_lowered  }
0xa1: {  	s22 =	simm.s32 $0x1BFF;
	s21 =	sshll.u32 s7, $0x1;
	s4 =	sadd.s32 s5, s19  }
0xa2: {  	s8 =	simm.s32 $0x0;
	s20 =	sshll.u32 s6, $0x1;
	s6 =	sadd.s32 s21, s4  }
0xa3: {  	[timem:s8], [sflag:s22] =	dma.local [hbm:s6], s20  }
0xa4: {  	_ =	swait.ge [sflag:s22], s20  }
0xa5: {  	s5 =	ssub.s32 $0x0, s20;
	[sflag:s22] =	ssyncset.done $0x0  }
0xa6: {  	[sflag:s22] =	ssyncadd.s32 s5;
	_ =	sdelay $0x1  }
0xa7: {  	s23 =	simm.s32 $0x1B8B  }
0xa8: {  	_ =	swait.ge [sflag:s23], $0x1  }
0xa9: {  	[sflag:s23] =	ssyncset.done $0x0  }
0xaa: {  	s25 =	simm.s32 $0x1B8E;
	s24 =	sld [smem:$0x3FFE];
	[sflag:s23] =	ssyncadd.s32 $0xFFFFFFFF  }
0xab: {  	s26 =	simm.s32 $execute0_lowered;
	[smem:$0x3FD2] =	sst s25  }
0xac: {  	s6 =	sshll.u32 s26, $0x1;
	_ =	strace $0x80000046;
	[dreg:$0x1] =	wrdreg $0xFFFFFFFF  }
0xad: {  	s28 =	simm.s32 $_size_execute0_lowered;
	s4 =	sadd.s32 s4, s6;
	[dreg:$0x0] =	wrdreg $0x0  }
0xae: {  	s6 =	sshll.u32 s28, $0x1;
	[dreg:$0x2] =	wrdreg s4  }
0xaf: {  	[dreg:$0x3] =	wrdreg s6  }
0xb0: {  	[dreg:$0x4] =	wrdreg $0xC0  }
0xb1: {  	_ =	task [dreg:s8], $0x5FFFF  }
0xb2: {  	[dreg:$0x1] =	wrdreg $0xFFFFFFFF  }
0xb3: {  	[dreg:$0x0] =	wrdreg $0x60  }
0xb4: {  	[dreg:$0x2] =	wrdreg s24  }
0xb5: {  	[dreg:$0x3] =	wrdreg s16  }
0xb6: {  	[dreg:$0x4] =	wrdreg s17  }
0xb7: {  	[dreg:$0x5] =	wrdreg $0x9  }
0xb8: {  	_ =	task.clear_ibuf [dreg:s8], $0x6FFFF;
	_ =	strace $0x90000046  }
0xb9: {  	s29 =	simm.s32 $0x9;
	_ =	strace $0x80000048  }
0xba: {  	_ =	swait.ge [sflag:s29], $0x1  }
0xbb: {  	[sflag:s29] =	ssyncadd.s32 $0xFFFFFFFF  }
0xbc: {  	_ =	strace $0x90000048  }
0xbd: {  	_ =	sfence  }
0xbe: {  	s30 =	sld [smem:$0x0];
	_ =	sdelay $0x2  }
0xbf: {  	s31 =	sshll.u32 s1, $0xD;
	s1 =	sshrl.u32 s1, $0x2  }
0xc0: {  	s3 =	sand.u32 $0x4000, s31;
	s1 =	sadd.s32 s1, s30  }
0xc1: {  	s0 =	sor.u32 s3, s0;
	s1 =	sshll.u32 s1, $0x11  }
0xc2: {  	s0 =	sor.u32 s1, s0  }
0xc3: {  	s0 =	sadd.s32 $0x8F2B, s0  }
0xc4: {  	[sflag:s0] =	ssyncadd.remote.s32 $0x1  }
0xc5: {  	_ =	sfence.sel $0xFFFF  }
0xc6: {  	[dreg:$0x0] =	wrdreg $0xFFFFFFFF;
	(pc) =	sbr.abs _section_cstart, $3  }
0xc7: {  	[dreg:$0x1] =	wrdreg $0xFFFFFFFF  }
0xc8: {  	_ =	task.clear_ibuf [dreg:s8], $0x2FFFF;
	_ =	strace $0x9FFFFFFF  }
0xc9: {  	(tm) =	ssettm $0x7FFFFFFF  }
tec
execute0_lowered:
.L_overlay_start_1:
0x0: {  	(tag) =	ssettag $0x1  }
0x1: {  	s8 =	rddreg [dreg:$0x0]  }
0x2: {  	s1 =	rddreg [dreg:$0x1]  }
0x3: {  	s2 =	rddreg [dreg:$0x2]  }
0x4: {  	s0 =	rddreg [dreg:$0x3];
	s3 =	simm.s32 $0x0;
	s4 =	srdreg.scid  }
0x5: {  	s12 =	simm.s32 $0x5140;
	s13 =	simm.s32 $0x64;
	s14 =	simm.s32 $0x1  }
0x6: {  	s15 =	simm.s32 $0x6660;
	s16 =	simm.s32 $0x0;
	[smem:$0x7FF] =	sst s3  }
0x7: {  	s9 =	sand.u32 $0x1, s4;
	s5 =	sadd.s32 $0x2B600, s8;
	s6 =	sadd.s32 $0x1200, s8  }
0x8: {  	s7 =	sadd.s32 $0x55A00, s8;
	s4 =	stileid.u32;
	s10 =	ssub.s32 $0x2, s9  }
0x9: {  	s8 =	sadd.s32 $0xF43600, s8;
	_ =	strace $0x80000047;
	s11 =	sshrl.u32 s10, $0x1  }
0xa: {  	s31 =	sshll.u32 s4, $0x4;
	s9 =	sshll.u32 s9, $0x3;
	s10 =	ssub.s32 s10, s11  }
0xb: {  	s9 =	sor.u32 s9, s31;
	s11 =	simm.s32 $0x2;
	s10 =	smax.u32 s10, $0x1  }
.LBB2_1:
0xc: {  	[tilespmem:s3], [sflag:$0x2] =	stream.linear.gather [hbm4b:s7+s3], $0x5140, $0x38;
	[tilespmem:$0x1AB60] =	vst v63  }
0xd: {  	_ =	swait.ge [sflag:s11], $0x5140  }
0xe: {  	[sflag:s11] =	ssyncset.done $0x0  }
0xf: {  	s18 =	simm.s32 $0x0;
	[sflag:s11] =	ssyncadd.s32 $0xFFFFAEC0  }
.LBB2_2:
0x10: {  	s17 =	sadd.s32 s9, s18  }
0x11: {  	s19 =	smul.u32 $0x2A4, s17;
	_ =	sdelay $0x1  }
0x12: {  	s20 =	simm.s32 $0x0;
	s19 =	sadd.s32 s5, s19  }
0x13: {  	[tilespmem:s12], [sflag:$0x2] =	stream.linear.gather [hbm4b:s19+s20], $0x1520, $0x38;
	[tilespmem:$0x1AB60] =	vst v63  }
0x14: {  	_ =	swait.ge [sflag:s11], $0x1520  }
0x15: {  	s31 =	simm.s32 $0x5140;
	[sflag:s11] =	ssyncset.done $0x0  }
0x16: {  	s19 =	simm.s32 $0x6660;
	s20 =	simm.s32 $0x1A0;
	[sflag:s11] =	ssyncadd.s32 $0xFFFFEAE0  }
0x17: {  	[tilespmem:s19], [sflag:$0x1] =	stream.indirect.gather [hbm4b:s8+s13], $0x10, s31, s13, $0xb8;
	[tilespmem:$0x1AB60] =	vst v63  }
.LBB2_3:
0x18: {  	p0 =	sne.s32 s20, $0x52E0  }
.Ltmp0:
0x19: {  	_ = 	snop;
	(pc) =	sbr.rel @p0 .LBB2_3-.Ltmp0, $4  }
0x1a: {  	_ = 	snop  }
0x1b: {  	s21 =	sshra.s32 s20, $0x2;
	s20 =	sadd.s32 $0x1A0, s20  }
0x1c: {  	s19 =	sadd.s32 $0x640, s19;
	s21 =	sadd.s32 $0x5140, s21  }
0x1d: {  	[tilespmem:s19], [sflag:$0x1] =	stream.indirect.gather [hbm4b:s8+s13], $0x10, s21, s13, $0xb8;
	[tilespmem:$0x1AB60] =	vst v63  }
0x1e: {  	_ =	swait.ge [sflag:s14], $0x14500  }
0x1f: {  	[sflag:s14] =	ssyncset.done $0x0  }
0x20: {  	s19 =	simm.s32 $0x0;
	[sflag:s14] =	ssyncadd.s32 $0xFFFEBB00  }
0x21: {  	v0 =	vld [tilespmem:s19+$0x0]  }
0x22: {  	v1 =	vld [tilespmem:s19+$0x6660]  }
0x23: {  	v3 =	vld [tilespmem:s19+$0xB7A0]  }
0x24: {  	s20 =	simm.s32 $0x40;
	v2 =	vld [tilespmem:s19+$0x108E0]  }
.LBB2_5:
0x25: {  	p0 =	sne.s32 s20, $0x144C0;
	v4 =	vld [tilespmem:s19+$0x15A20]  }
0x26: {  	v5 =	vmov v0  }
0x27: {  	v0 =	vmul.f32 $2.039607810e+01, v1  }
0x28: {  	v1 =	vmul.f32 $2.039607810e+01, v3  }
0x29: {  	v3 =	vadd.f32 v0, v5;
	v2 =	vmul.f32 $2.039607810e+01, v2  }
.Ltmp1:
0x2a: {  	s21 =	sshra.s32 s20, $0x2;
	v6 =	vadd.f32 v1, v5;
	v4 =	vmul.f32 $2.039607810e+01, v4;
	(pc) =	sbr.rel @p0 .LBB2_5-.Ltmp1, $4  }
0x2b: {  	v0 =	vld [tilespmem:s21+$0x0];
	[tilespmem:s19+$0x6660] =	vst v3;
	v2 =	vadd.f32 v2, v5  }
0x2c: {  	v1 =	vld [tilespmem:s21+$0x6660];
	[tilespmem:s19+$0xB7A0] =	vst v6;
	v4 =	vadd.f32 v4, v5  }
0x2d: {  	v3 =	vld [tilespmem:s21+$0xB7A0];
	[tilespmem:s19+$0x108E0] =	vst v2  }
0x2e: {  	s20 =	sadd.s32 $0x40, s20;
	v2 =	vld [tilespmem:s21+$0x108E0];
	[tilespmem:s19+$0x15A20] =	vst v4;
	s19 =	smov.u32 s21  }
0x2f: {  	v4 =	vld [tilespmem:s19+$0x15A20];
	_ =	sdelay $0x1  }
0x30: {  	v1 =	vmul.f32 $2.039607810e+01, v1  }
0x31: {  	v3 =	vmul.f32 $2.039607810e+01, v3  }
0x32: {  	v1 =	vadd.f32 v1, v0;
	v2 =	vmul.f32 $2.039607810e+01, v2  }
0x33: {  	v3 =	vadd.f32 v3, v0;
	v4 =	vmul.f32 $2.039607810e+01, v4  }
0x34: {  	[tilespmem:s19+$0x6660] =	vst v1;
	v62 =	vadd.f32 v2, v0  }
0x35: {  	s17 =	smul.u32 $0x28A0, s17;
	s18 =	sadd.s32 $0x1, s18;
	[tilespmem:s19+$0xB7A0] =	vst v3;
	v63 =	vadd.f32 v4, v0  }
0x36: {  	p0 =	sne.s32 s18, $0x8;
	[tilespmem:s19+$0x108E0] =	vst v62  }
.Ltmp2:
0x37: {  	s31 =	sadd.s32 s1, s17;
	s17 =	simm.s32 $0x0;
	[tilespmem:s19+$0x15A20] =	vst v63;
	(pc) =	sbr.rel @p0 .LBB2_2-.Ltmp2, $4  }
0x38: {  	[hbm4b:s31+s17] =	stream.linear.scatter [tilespmem:s15], [sflag:$0x2], $0x14500, $0x38;
	[tilespmem:$0x1AB60] =	vst v63  }
0x39: {  	_ =	swait.ge [sflag:s11], $0x14500  }
0x3a: {  	[sflag:s11] =	ssyncset.done $0x0  }
0x3b: {  	[sflag:s11] =	ssyncadd.s32 $0xFFFEBB00  }
0x3c: {  	s18 =	simm.s32 $0x0  }
.LBB2_8:
0x3d: {  	s19 =	sadd.s32 s9, s18  }
0x3e: {  	s20 =	smul.u32 $0x2A4, s19;
	_ =	sdelay $0x1  }
0x3f: {  	s20 =	sadd.s32 s6, s20  }
0x40: {  	[tilespmem:s12], [sflag:$0x2] =	stream.linear.gather [hbm4b:s20+s17], $0x1520, $0x38;
	[tilespmem:$0x1AB60] =	vst v63  }
0x41: {  	_ =	swait.ge [sflag:s11], $0x1520  }
0x42: {  	[sflag:s11] =	ssyncset.done $0x0  }
0x43: {  	s21 =	simm.s32 $0x5140;
	s20 =	simm.s32 $0x6660;
	[sflag:s11] =	ssyncadd.s32 $0xFFFFEAE0  }
0x44: {  	[tilespmem:s20], [sflag:$0x1] =	stream.indirect.gather [hbm4b:s8+s13], $0x10, s21, s13, $0xb8;
	[tilespmem:$0x1AB60] =	vst v63  }
0x45: {  	s21 =	simm.s32 $0x1A0  }
.LBB2_9:
0x46: {  	p0 =	sne.s32 s21, $0x52E0  }
.Ltmp3:
0x47: {  	_ = 	snop;
	(pc) =	sbr.rel @p0 .LBB2_9-.Ltmp3, $4  }
0x48: {  	_ = 	snop  }
0x49: {  	s22 =	sshra.s32 s21, $0x2;
	s21 =	sadd.s32 $0x1A0, s21  }
0x4a: {  	s20 =	sadd.s32 $0x640, s20;
	s22 =	sadd.s32 $0x5140, s22  }
0x4b: {  	[tilespmem:s20], [sflag:$0x1] =	stream.indirect.gather [hbm4b:s8+s13], $0x10, s22, s13, $0xb8;
	[tilespmem:$0x1AB60] =	vst v63  }
0x4c: {  	_ =	swait.ge [sflag:s14], $0x14500  }
0x4d: {  	[sflag:s14] =	ssyncset.done $0x0  }
0x4e: {  	s20 =	simm.s32 $0x0;
	[sflag:s14] =	ssyncadd.s32 $0xFFFEBB00  }
0x4f: {  	v0 =	vld [tilespmem:s20+$0x0]  }
0x50: {  	v1 =	vld [tilespmem:s20+$0x6660]  }
0x51: {  	v3 =	vld [tilespmem:s20+$0xB7A0]  }
0x52: {  	s21 =	simm.s32 $0x40;
	v2 =	vld [tilespmem:s20+$0x108E0]  }
.LBB2_11:
0x53: {  	p0 =	sne.s32 s21, $0x144C0;
	v4 =	vld [tilespmem:s20+$0x15A20]  }
0x54: {  	v5 =	vmov v0  }
0x55: {  	v0 =	vmul.f32 $2.039607810e+01, v1  }
0x56: {  	v1 =	vmul.f32 $2.039607810e+01, v3  }
0x57: {  	v3 =	vadd.f32 v0, v5;
	v2 =	vmul.f32 $2.039607810e+01, v2  }
.Ltmp4:
0x58: {  	s22 =	sshra.s32 s21, $0x2;
	v6 =	vadd.f32 v1, v5;
	v4 =	vmul.f32 $2.039607810e+01, v4;
	(pc) =	sbr.rel @p0 .LBB2_11-.Ltmp4, $4  }
0x59: {  	v0 =	vld [tilespmem:s22+$0x0];
	[tilespmem:s20+$0x6660] =	vst v3;
	v2 =	vadd.f32 v2, v5  }
0x5a: {  	v1 =	vld [tilespmem:s22+$0x6660];
	[tilespmem:s20+$0xB7A0] =	vst v6;
	v4 =	vadd.f32 v4, v5  }
0x5b: {  	v3 =	vld [tilespmem:s22+$0xB7A0];
	[tilespmem:s20+$0x108E0] =	vst v2  }
0x5c: {  	s21 =	sadd.s32 $0x40, s21;
	v2 =	vld [tilespmem:s22+$0x108E0];
	[tilespmem:s20+$0x15A20] =	vst v4;
	s20 =	smov.u32 s22  }
0x5d: {  	v4 =	vld [tilespmem:s20+$0x15A20];
	_ =	sdelay $0x1  }
0x5e: {  	v1 =	vmul.f32 $2.039607810e+01, v1  }
0x5f: {  	v3 =	vmul.f32 $2.039607810e+01, v3  }
0x60: {  	v1 =	vadd.f32 v1, v0;
	v2 =	vmul.f32 $2.039607810e+01, v2  }
0x61: {  	v3 =	vadd.f32 v3, v0;
	v4 =	vmul.f32 $2.039607810e+01, v4  }
0x62: {  	[tilespmem:s20+$0x6660] =	vst v1;
	v62 =	vadd.f32 v2, v0  }
0x63: {  	s19 =	smul.u32 $0x28A0, s19;
	s18 =	sadd.s32 $0x1, s18;
	[tilespmem:s20+$0xB7A0] =	vst v3;
	v63 =	vadd.f32 v4, v0  }
0x64: {  	p0 =	sne.s32 s18, $0x8;
	[tilespmem:s20+$0x108E0] =	vst v62  }
.Ltmp5:
0x65: {  	s19 =	sadd.s32 s2, s19;
	[tilespmem:s20+$0x15A20] =	vst v63;
	(pc) =	sbr.rel @p0 .LBB2_8-.Ltmp5, $4  }
0x66: {  	[hbm4b:s19+s3] =	stream.linear.scatter [tilespmem:s15], [sflag:$0x2], $0x14500, $0x38;
	[tilespmem:$0x1AB60] =	vst v63  }
0x67: {  	_ =	swait.ge [sflag:s11], $0x14500  }
0x68: {  	[sflag:s11] =	ssyncset.done $0x0  }
0x69: {  	[sflag:s11] =	ssyncadd.s32 $0xFFFEBB00  }
0x6a: {  	s16 =	sadd.s32 $0x1, s16  }
0x6b: {  	p0 =	sne.s32 s16, s10  }
.Ltmp6:
0x6c: {  	_ = 	snop;
	(pc) =	sbr.rel @p0 .LBB2_1-.Ltmp6, $1  }
0x6d: {  	_ =	sdelay $0x3  }
0x6e: {  	_ =	sfence.sel $0x180000  }
0x6f: {  	[bflag:$0x0] =	sbarrier.arrive $0xFFFF  }
0x70: {  	p0 =	sne.s32 s4, $0x0;
	_ =	strace $0x90000047  }
0x71: {  	s0 =	sadd.s32 @!p0 $0x100000, s0;
	[bflag:$0x2] =	sbarrier.arrive $0xFFFF  }
0x72: {  	[sflag:s0] =	ssyncadd.tile.s32 @!p0 $0x1;
	_ =	shalt  }
.Lfunc_end2:
_tile_overlayer_lowered:
.L_overlay_start_2:
0x73: {  	(tag) =	ssettag $0x2  }
0x74: {  	s0 =	rddreg [dreg:$0x0];
	s2 =	stileid.u32  }
0x75: {  	s1 =	rddreg [dreg:$0x1];
	p0 =	sne.s32 s2, $0x0  }
0x76: {  	s3 =	rddreg [dreg:$0x2];
	[bflag:$0x3] =	sbarrier.arrive $0xFFFF;
	s2 =	simm.s32 @!p0 $0x1C02  }
0x77: {  	[timem:s3], [sflag:s2] =	dma.local @!p0 [hbm:s0], s1  }
0x78: {  	s0 =	simm.s32 @!p0 $0x2  }
0x79: {  	_ =	swait.ge @!p0 [sflag:s0], s1  }
0x7a: {  	s1 =	ssub.s32 @!p0 $0x0, s1;
	[sflag:s0] =	ssyncset.done @!p0 $0x0  }
0x7b: {  	[sflag:s0] =	ssyncadd.s32 @!p0 s1  }
0x7c: {  	[bflag:$0x3] =	sbarrier.arrive $0xFFFF  }
0x7d: {  	_ =	shalt  }

// kernel: sparse-core-data-format-call.1.cloned.1.call-start
scs
called_computation.1_lowered:
.L_overlay_start_0:
0x0: {  	s2 =	sld [smem:$0x3FD9]  }
0x1: {  	s3 =	sld [smem:$0x3FFE];
	_ =	sdelay $0x1  }
0x2: {  	s1 =	srdreg.scid  }
0x3: {  	s0 =	sand.u32 $0x1, s1  }
0x4: {  	s15 =	sshll.u32 s0, $0xA;
	s2 =	sadd.s32 s3, s2  }
0x5: {  	s2 =	sadd.s32 s2, s15  }
0x6: {  	[smem:$0x3FC5] =	sst s2  }
0x7: {  	_ = 	snop  }
0x8: {  	s2 =	sld [smem:$0x3FD0];
	_ =	sdelay $0x2  }
0x9: {  	s16 =	simm.s32 $0xB;
	s4 =	simm.s32 $0x10  }
0xa: {  	[smem:s4], [sflag:s16] =	dma.local [hbm:s2], $0x1  }
0xb: {  	_ =	swait.eq [sflag:s16], $0x1  }
0xc: {  	[sflag:s16] =	ssyncset.done $0x0  }
0xd: {  	[sflag:s16] =	ssyncadd.s32 $0xFFFFFFFF  }
0xe: {  	s17 =	sld [smem:$0x10];
	(tm) =	ssettm $0x1  }
0xf: {  	s18 =	sld [smem:$0x3FFB];
	_ =	sdelay $0x3  }
0x10: {  	_ =	strace s18  }
0x11: {  	s3 =	sld [smem:$0x3FFC];
	_ =	sdelay $0x3  }
0x12: {  	_ =	strace s3  }
0x13: {  	s3 =	sld [smem:$0x3FFD];
	_ =	sdelay $0x3  }
0x14: {  	_ =	strace s3  }
0x15: {  	_ =	strace $0x8FFFFFFF  }
0x16: {  	s19 =	sld [smem:$0x3FDB];
	_ =	sdelay $0x1  }
0x17: {  	s20 =	simm.s32 $_scs_section_size  }
0x18: {  	s5 =	simm.s32 $_size__tile_overlayer_lowered;
	s6 =	simm.s32 $_tile_overlayer_lowered  }
0x19: {  	s23 =	simm.s32 $0x1BFF;
	s22 =	sshll.u32 s6, $0x1;
	s3 =	sadd.s32 s20, s19  }
0x1a: {  	s7 =	simm.s32 $0x0;
	s21 =	sshll.u32 s5, $0x1;
	s5 =	sadd.s32 s22, s3  }
0x1b: {  	[timem:s7], [sflag:s23] =	dma.local [hbm:s5], s21  }
0x1c: {  	_ =	swait.ge [sflag:s23], s21  }
0x1d: {  	s4 =	ssub.s32 $0x0, s21;
	[sflag:s23] =	ssyncset.done $0x0  }
0x1e: {  	[sflag:s23] =	ssyncadd.s32 s4;
	_ =	sdelay $0x1  }
0x1f: {  	s24 =	simm.s32 $0x1B8B  }
0x20: {  	_ =	swait.ge [sflag:s24], $0x1  }
0x21: {  	[sflag:s24] =	ssyncset.done $0x0  }
0x22: {  	s26 =	simm.s32 $0x1B8E;
	s25 =	sld [smem:$0x3FFE];
	[sflag:s24] =	ssyncadd.s32 $0xFFFFFFFF  }
0x23: {  	s27 =	simm.s32 $execute0_lowered;
	[smem:$0x3FD2] =	sst s26  }
0x24: {  	s5 =	sshll.u32 s27, $0x1;
	_ =	strace $0x80000049;
	[dreg:$0x1] =	wrdreg $0xFFFFFFFF  }
0x25: {  	s28 =	simm.s32 $_size_execute0_lowered;
	s3 =	sadd.s32 s3, s5;
	[dreg:$0x0] =	wrdreg $0x0  }
0x26: {  	s5 =	sshll.u32 s28, $0x1;
	[dreg:$0x2] =	wrdreg s3  }
0x27: {  	[dreg:$0x3] =	wrdreg s5  }
0x28: {  	[dreg:$0x4] =	wrdreg $0xC0  }
0x29: {  	_ =	task [dreg:s7], $0x5FFFF  }
0x2a: {  	[dreg:$0x1] =	wrdreg $0xFFFFFFFF  }
0x2b: {  	[dreg:$0x0] =	wrdreg $0x60  }
0x2c: {  	[dreg:$0x2] =	wrdreg s25  }
0x2d: {  	[dreg:$0x3] =	wrdreg s17  }
0x2e: {  	[dreg:$0x4] =	wrdreg $0xA  }
0x2f: {  	_ =	task.clear_ibuf [dreg:s7], $0x5FFFF;
	_ =	strace $0x90000049  }
0x30: {  	s29 =	simm.s32 $0xA;
	_ =	strace $0x8000004B  }
0x31: {  	_ =	swait.ge [sflag:s29], $0x1  }
0x32: {  	[sflag:s29] =	ssyncadd.s32 $0xFFFFFFFF  }
0x33: {  	_ =	strace $0x9000004B  }
0x34: {  	_ =	sfence  }
0x35: {  	s30 =	sld [smem:$0x0];
	_ =	sdelay $0x2  }
0x36: {  	s31 =	sshll.u32 s1, $0xD;
	s1 =	sshrl.u32 s1, $0x2  }
0x37: {  	s3 =	sand.u32 $0x4000, s31;
	s1 =	sadd.s32 s1, s30  }
0x38: {  	s0 =	sor.u32 s3, s0;
	s1 =	sshll.u32 s1, $0x11  }
0x39: {  	s0 =	sor.u32 s1, s0  }
0x3a: {  	s0 =	sadd.s32 $0x8F2B, s0  }
0x3b: {  	[sflag:s0] =	ssyncadd.remote.s32 $0x1  }
0x3c: {  	_ =	sfence.sel $0xFFFF  }
0x3d: {  	[dreg:$0x0] =	wrdreg $0xFFFFFFFF;
	(pc) =	sbr.abs _section_cstart, $3  }
0x3e: {  	[dreg:$0x1] =	wrdreg $0xFFFFFFFF  }
0x3f: {  	_ =	task.clear_ibuf [dreg:s7], $0x2FFFF;
	_ =	strace $0x9FFFFFFF  }
0x40: {  	(tm) =	ssettm $0x7FFFFFFF  }
0x41: {  	_ =	shalt  }
tec
execute0_lowered:
.L_overlay_start_1:
0x0: {  	(tag) =	ssettag $0x1  }
0x1: {  	s4 =	rddreg [dreg:$0x0]  }
0x2: {  	s2 =	rddreg [dreg:$0x1]  }
0x3: {  	s0 =	stileid.u32;
	s1 =	rddreg [dreg:$0x2];
	_ =	strace $0x8000004A  }
0x4: {  	s5 =	srdreg.scid;
	s10 =	simm.s32 $0x2;
	s17 =	simm.s32 $0x0  }
0x5: {  	s18 =	simm.s32 $0x0;
	s19 =	simm.s32 $0x0;
	s11 =	simm.s32 $0x0  }
0x6: {  	s12 =	simm.s32 $0x0;
	s13 =	simm.s32 $0x0;
	s3 =	sshll.u32 s0, $0x7  }
0x7: {  	s14 =	simm.s32 $0x0;
	s5 =	sshll.u32 s5, $0x4;
	s3 =	sand.u32 $0x380, s3  }
0x8: {  	s16 =	simm.s32 $0x0;
	s5 =	sand.u32 $0x10, s5;
	s6 =	ssub.s32 $0x400, s3  }
0x9: {  	s4 =	sadd.s32 $0x1200, s4;
	s8 =	sor.u32 s0, s5;
	s7 =	sand.u32 $0x380, s6  }
0xa: {  	s5 =	simm.s32 $0x1;
	p0 =	sne.s32 s7, $0x0;
	s7 =	simm.s32 $0x1  }
.Ltmp0:
0xb: {  	s6 =	sshrl.u32 s6, $0xA;
	s7 =	simm.s32 @!p0 $0x0;
	(pc) =	sbr.rel .LBB1_1-.Ltmp0, $4  }
0xc: {  	s15 =	smov.u32 s3;
	s9 =	sshll.u32 s8, $0x4;
	s6 =	sadd.s32 s7, s6  }
0xd: {  	[sflag:s5] =	ssyncpa.u1 $0x0;
	s8 =	sshll.u32 s8, $0x7;
	s6 =	smul.u32 $0x32, s6  }
0xe: {  	[sflag:s10] =	ssyncpa.u1 $0x0;
	s8 =	sand.u32 $0xC00, s8;
	s10 =	simm.s32 $0x2000  }
0xf: {  	p0 =	por $0x0, $0x0;
	s7 =	sand.u32 $0x180, s9;
	s9 =	sor.u32 $0x1, s6  }
.LBB1_4:
0x10: {  	s24 =	sshra.s32 s24, $0x2;
	s25 =	sshrl.u32 s13, $0x7;
	p1 =	sgt.s32 s13, $0x380  }
0x11: {  	s26 =	sshra.s32 s13, $0x1F;
	s28 =	smov.u32 s12;
	s31 =	sshra.s32 s12, $0x1F  }
0x12: {  	s23 =	sadd.s32 s24, s23;
	s30 =	sadd.s32 s25, s11;
	s25 =	smov.u32 s13  }
0x13: {  	v5 =	vld [tilespmem:s21+$0xFFFFFFD0];
	[tilespmem:s22+$0x2040 ss:$0x81] =	vst.msk $0xffff, v4;
	s26 =	sand.u32 s26, s13;
	s24 =	sand.u32 $0x3FFFFF, s30;
	s25 =	simm.s32 @!p1 $0x380  }
0x14: {  	v58 =	vld [tilespmem:s21+$0xFFFFFFE0];
	[tilespmem:s22+$0x2850 ss:$0x81] =	vst.msk $0xffff, v3;
	p1 =	sgt.s32 s12, $0x31;
	s27 =	smulhi.u32 $0x9D89D9, s24;
	s25 =	ssub.s32 s25, s26  }
0x15: {  	v59 =	vld [tilespmem:s21+$0xFFFFFFF0];
	[tilespmem:s22+$0x3060 ss:$0x81] =	vst.msk $0xffff, v2;
	s28 =	simm.s32 @!p1 $0x31;
	s26 =	sand.u32 s31, s12;
	p1 =	sgt.s32 s11, $0x120  }
0x16: {  	v60 =	vld [tilespmem:s21+$0x0];
	[tilespmem:s22+$0x0 ss:$0x81] =	vst.msk $0xffff, v1;
	s29 =	ssub.s32 s28, s26;
	s26 =	smov.u32 s11;
	s30 =	sadd.s32 $0xFFFFFC80, s25  }
0x17: {  	v61 =	vld [tilespmem:s21+$0x10];
	[tilespmem:s23+$0x3870 ss:$0x81] =	vst.msk $0xffff, v0;
	s25 =	ssub.s32 $0x400, s25;
	s26 =	simm.s32 @!p1 $0x120;
	p1 =	sgt.s32 s30, $0x7F  }
0x18: {  	v62 =	vld [tilespmem:s21+$0x20];
	s27 =	smul.u32 $0x1A0, s27;
	[tilespmem:s23+$0x810 ss:$0x81] =	vst.msk $0xffff, v5;
	s26 =	ssub.s32 $0x1A0, s26;
	s25 =	simm.s32 @p1 $0x0  }
0x19: {  	v63 =	vld [tilespmem:s21+$0xFFFFFFC0];
	s28 =	sshrl.u32 s13, $0x3;
	s31 =	sadd.s32 $0xFFFFFFCF, s29;
	[tilespmem:s23+$0x1020 ss:$0x81] =	vst.msk $0xffff, v58;
	s25 =	smul.u32 s26, s25  }
0x1a: {  	s21 =	ssub.s32 $0x32, s29;
	[tilespmem:s23+$0x1830 ss:$0x81] =	vst.msk $0xffff, v59;
	p1 =	sgt.s32 s31, $0x0;
	s26 =	smul.u32 $0xD000, s12  }
0x1b: {  	[tilespmem:s23+$0x2040 ss:$0x81] =	vst.msk $0xffff, v60;
	s22 =	sand.u32 $0xF, s28;
	s29 =	sand.u32 $0x7, s13;
	s21 =	simm.s32 @p1 $0x0  }
0x1c: {  	[tilespmem:s23+$0x2850 ss:$0x81] =	vst.msk $0xffff, v61;
	s24 =	ssub.s32 s24, s27;
	s21 =	smul.u32 s21, s25;
	s25 =	sadd.s32 s2, s26  }
0x1d: {  	[tilespmem:s23+$0x3060 ss:$0x81] =	vst.msk $0xffff, v62;
	s30 =	sshll.u32 s29, $0x12;
	s24 =	sshll.u32 s24, $0x7;
	s22 =	sadd.s32 s22, s25  }
0x1e: {  	[tilespmem:s23+$0x0 ss:$0x81] =	vst.msk $0xffff, v63;
	s31 =	sor.u32 $0x400, s30;
	s21 =	sand.u32 $0x3FFFFFFF, s21;
	s22 =	sadd.s32 s24, s22  }
0x1f: {  	[hbm4b:s22+s31] =	stream.strided.scatter [tilespmem:s20], [sflag:$0x2], s21, s10, s31, $0x20;
	[tilespmem:$0x10100] =	vst v63  }
.LBB1_5:
0x20: {  	p1 =	slt.u32 s16, $0x2;
	s20 =	smov.u32 s18  }
0x21: {  	s21 =	smov.u32 s19;
	p2 =	sgt.s32 @!p1 s18, $0x31;
	p3 =	sgt.s32 @!p1 s19, $0x380  }
0x22: {  	s22 =	sshra.s32 @!p1 s19, $0x1F;
	p2 =	por !p2, p1;
	p3 =	por !p3, p1  }
0x23: {  	s19 =	sand.u32 @!p1 s22, s19;
	s20 =	simm.s32 @p2 $0x31;
	s21 =	simm.s32 @p3 $0x380  }
0x24: {  	p2 =	sgt.s32 @!p1 s17, $0x120;
	s19 =	ssub.s32 @!p1 s21, s19;
	s21 =	sshra.s32 @!p1 s18, $0x1F  }
0x25: {  	p2 =	por !p2, p1;
	s18 =	sand.u32 @!p1 s21, s18;
	s21 =	sadd.s32 @!p1 $0xFFFFFC80, s19  }
0x26: {  	s17 =	simm.s32 @p2 $0x120;
	s18 =	ssub.s32 @!p1 s20, s18;
	p2 =	sgt.s32 @!p1 s21, $0x7F  }
0x27: {  	s19 =	ssub.s32 @!p1 $0x400, s19;
	s20 =	sadd.s32 @!p1 $0xFFFFFFCF, s18;
	p2 =	por !p2, p1  }
0x28: {  	s17 =	ssub.s32 @!p1 $0x1A0, s17;
	s19 =	simm.s32 @!p2 $0x0;
	p2 =	sgt.s32 @!p1 s20, $0x0  }
0x29: {  	s18 =	ssub.s32 @!p1 $0x32, s18;
	p2 =	por !p2, p1;
	s17 =	smul.u32 @!p1 s17, s19  }
0x2a: {  	s22 =	smov.u32 s15;
	s20 =	sadd.s32 $0x1, s14;
	s18 =	simm.s32 @!p2 $0x0  }
0x2b: {  	p2 =	sgt.s32 s20, $0x31;
	s17 =	smul.u32 @!p1 s18, s17;
	s18 =	sadd.s32 $0x400, s15  }
0x2c: {  	s24 =	sadd.s32 $0x1, s16;
	s22 =	smov.u32 @p2 s18  }
0x2d: {  	p0 =	por !p0, !p0;
	s20 =	simm.s32 @p2 $0x0;
	p2 =	sgt.s32 s22, $0x3FF  }
0x2e: {  	s21 =	simm.s32 @!p1 $0x2;
	s22 =	smov.u32 @p2 s3;
	p2 =	sne.s32 s16, s9  }
.Ltmp1:
0x2f: {  	s19 =	smov.u32 s13;
	s13 =	smov.u32 s15;
	(pc) =	sbr.rel @!p2 .LBB1_6-.Ltmp1, $4  }
0x30: {  	s18 =	smov.u32 s12;
	s12 =	smov.u32 s14;
	s17 =	sand.u32 @!p1 $0x3FFFFFFF, s17  }
0x31: {  	s14 =	smov.u32 s20;
	_ =	swait.ge @!p1 [sflag:s21], s17;
	s23 =	ssub.s32 @!p1 $0x0, s17  }
0x32: {  	s17 =	smov.u32 s11;
	s11 =	smov.u32 s7;
	[sflag:s21] =	ssyncset.done @!p1 $0x0  }
0x33: {  	s16 =	smov.u32 s24;
	s15 =	smov.u32 s22;
	[sflag:s21] =	ssyncadd.s32 @!p1 s23  }
.LBB1_1:
0x34: {  	p1 =	sge.u32 s16, s6  }
0x35: {  	s20 =	sshll.u32 @!p1 s14, $0x9  }
0x36: {  	s21 =	sshll.u32 @!p1 s14, $0x7;
	s20 =	sand.u32 @!p1 $0xFFFFF000, s20  }
0x37: {  	s21 =	sand.u32 @!p1 $0x200, s21;
	s20 =	sor.u32 @!p1 s8, s20  }
0x38: {  	s20 =	sor.u32 @!p1 s21, s20  }
0x39: {  	s20 =	sshrl.u32 @!p1 s20, $0x9  }
0x3a: {  	s21 =	smulhi.u32 @!p1 $0x4924925, s20;
	_ =	sdelay $0x1  }
0x3b: {  	s21 =	smul.u32 @!p1 $0x38, s21  }
0x3c: {  	s31 =	sadd.s32 $0xFFFFFFFF, s16;
	s22 =	smul.u32 @!p1 $0xE00, s15  }
0x3d: {  	s23 =	sxor.u32 @!p1 $0xFFFFFFFF, s16;
	s20 =	ssub.s32 @!p1 s20, s21;
	s21 =	sshll.u32 @!p1 s14, $0x4  }
0x3e: {  	s23 =	sshll.u32 @!p1 s23, $0xE;
	s22 =	sadd.s32 @!p1 s4, s22;
	s21 =	sand.u32 @!p1 $0x30, s21  }
0x3f: {  	s23 =	sand.u32 @!p1 $0x4000, s23;
	s20 =	sshll.u32 @!p1 s20, $0x6;
	s21 =	sadd.s32 @!p1 s21, s22  }
0x40: {  	s22 =	simm.s32 @!p1 $0x7000;
	s20 =	sadd.s32 @!p1 s20, s21;
	s21 =	simm.s32 @!p1 $0x80  }
0x41: {  	[tilespmem:s23], [sflag:$0x1] =	stream.strided.gather @!p1 [hbm4b:s20+s21], $0x4000, s22, s21, $0x38;
	[tilespmem:$0x10100] =	vst v63  }
0x42: {  	p1 =	sge.u32 s31, s6  }
.Ltmp2:
0x43: {  	_ = 	snop;
	(pc) =	sbr.rel @p1 .LBB1_5-.Ltmp2, $1  }
0x44: {  	_ =	sdelay $0x3  }
0x45: {  	s20 =	simm.s32 $0x1  }
0x46: {  	_ =	swait.ge [sflag:s5], $0x4000;
	s20 =	simm.s32 @!p0 $0x0  }
0x47: {  	[sflag:s5] =	ssyncset.done $0x0;
	s21 =	sshll.u32 s20, $0xE  }
0x48: {  	[sflag:s5] =	ssyncadd.s32 $0xFFFFC000;
	s21 =	sor.u32 $0x40, s21  }
0x49: {  	s20 =	smul.u32 $0x10200, s20;
	v0 =	vld [tilespmem:s21+$0x30]  }
0x4a: {  	v1 =	vld [tilespmem:s21+$0xFFFFFFD0]  }
0x4b: {  	s20 =	sshrl.u32 s20, $0x2;
	v5 =	vld [tilespmem:s21+$0xFFFFFFE0]  }
0x4c: {  	v6 =	vld [tilespmem:s21+$0xFFFFFFF0];
	s23 =	sor.u32 $0x8000, s20  }
0x4d: {  	s31 =	sand.u32 $0x1, s16;
	v4 =	vld [tilespmem:s21+$0x0];
	s22 =	sadd.s32 $0x0, s23  }
0x4e: {  	v3 =	vld [tilespmem:s21+$0x10];
	s20 =	smul.u32 $0x10200, s31;
	[tilespmem:s22+$0x3870 ss:$0x81] =	vst.msk $0xffff, v0  }
0x4f: {  	v2 =	vld [tilespmem:s21+$0x20];
	[tilespmem:s22+$0x810 ss:$0x81] =	vst.msk $0xffff, v1  }
0x50: {  	s20 =	sshrl.u32 s20, $0x2;
	v1 =	vld [tilespmem:s21+$0xFFFFFFC0];
	[tilespmem:s22+$0x1020 ss:$0x81] =	vst.msk $0xffff, v5;
	s21 =	sadd.s32 $0x80, s21  }
0x51: {  	s24 =	simm.s32 $0x4;
	s25 =	simm.s32 $0x8;
	s20 =	sor.u32 $0x8000, s20;
	[tilespmem:s22+$0x1830 ss:$0x81] =	vst.msk $0xffff, v6;
	v0 =	vld [tilespmem:s21+$0x30]  }
.LBB1_3:
0x52: {  	p1 =	sne.s32 s25, $0x1FC;
	v5 =	vld [tilespmem:s21+$0xFFFFFFD0];
	[tilespmem:s22+$0x2040 ss:$0x81] =	vst.msk $0xffff, v4  }
0x53: {  	v6 =	vld [tilespmem:s21+$0xFFFFFFE0];
	[tilespmem:s22+$0x2850 ss:$0x81] =	vst.msk $0xffff, v3  }
0x54: {  	s26 =	sshra.s32 s24, $0x2;
	s24 =	smov.u32 s25;
	v7 =	vld [tilespmem:s21+$0xFFFFFFF0];
	[tilespmem:s22+$0x3060 ss:$0x81] =	vst.msk $0xffff, v2  }
.Ltmp3:
0x55: {  	v4 =	vld [tilespmem:s21+$0x0];
	[tilespmem:s22+$0x0 ss:$0x81] =	vst.msk $0xffff, v1;
	s22 =	sadd.s32 s26, s23;
	(pc) =	sbr.rel @p1 .LBB1_3-.Ltmp3, $4  }
0x56: {  	v3 =	vld [tilespmem:s21+$0x10];
	[tilespmem:s22+$0x3870 ss:$0x81] =	vst.msk $0xffff, v0  }
0x57: {  	[tilespmem:s22+$0x810 ss:$0x81] =	vst.msk $0xffff, v5;
	v2 =	vld [tilespmem:s21+$0x20]  }
0x58: {  	v1 =	vld [tilespmem:s21+$0xFFFFFFC0];
	[tilespmem:s22+$0x1020 ss:$0x81] =	vst.msk $0xffff, v6;
	s21 =	sadd.s32 $0x80, s21  }
0x59: {  	s25 =	sadd.s32 $0x4, s25;
	v0 =	vld [tilespmem:s21+$0x30];
	[tilespmem:s22+$0x1830 ss:$0x81] =	vst.msk $0xffff, v7  }
.Ltmp4:
0x5a: {  	_ = 	snop;
	(pc) =	sbr.rel .LBB1_4-.Ltmp4, $1  }
0x5b: {  	_ =	sdelay $0x3  }
.LBB1_6:
0x5c: {  	_ =	sfence.sel $0x180000  }
0x5d: {  	s2 =	simm.s32 $0x1;
	[bflag:$0x0] =	sbarrier.arrive $0xFFFF  }
0x5e: {  	s31 =	simm.s32 $0x2;
	[sflag:s2] =	ssyncpa.u1 $0x1  }
0x5f: {  	[sflag:s31] =	ssyncpa.u1 $0x1  }
0x60: {  	p0 =	sne.s32 s0, $0x0;
	_ =	strace $0x9000004A  }
0x61: {  	s0 =	sadd.s32 @!p0 $0x100000, s1;
	[bflag:$0x2] =	sbarrier.arrive $0xFFFF  }
0x62: {  	[sflag:s0] =	ssyncadd.tile.s32 @!p0 $0x1;
	_ =	shalt  }
.Lfunc_end1:
_tile_overlayer_lowered:
.L_overlay_start_2:
0x63: {  	(tag) =	ssettag $0x2  }
0x64: {  	s0 =	rddreg [dreg:$0x0];
	s2 =	stileid.u32  }
0x65: {  	s1 =	rddreg [dreg:$0x1];
	p0 =	sne.s32 s2, $0x0  }
0x66: {  	s3 =	rddreg [dreg:$0x2];
	[bflag:$0x3] =	sbarrier.arrive $0xFFFF;
	s2 =	simm.s32 @!p0 $0x1C01  }
0x67: {  	[timem:s3], [sflag:s2] =	dma.local @!p0 [hbm:s0], s1  }
0x68: {  	s0 =	simm.s32 @!p0 $0x1  }
0x69: {  	_ =	swait.ge @!p0 [sflag:s0], s1  }
0x6a: {  	s1 =	ssub.s32 @!p0 $0x0, s1;
	[sflag:s0] =	ssyncset.done @!p0 $0x0  }
0x6b: {  	[sflag:s0] =	ssyncadd.s32 @!p0 s1  }
0x6c: {  	[bflag:$0x3] =	sbarrier.arrive $0xFFFF  }
0x6d: {  	_ =	shalt  }

// kernel: sparse-core-data-format-call.cloned.1.call-start
scs
called_computation_lowered:
.L_overlay_start_0:
0x0: {  	s2 =	sld [smem:$0x3FD9]  }
0x1: {  	s3 =	sld [smem:$0x3FFE];
	_ =	sdelay $0x1  }
0x2: {  	s1 =	srdreg.scid  }
0x3: {  	s0 =	sand.u32 $0x1, s1  }
0x4: {  	s16 =	sshll.u32 s0, $0xA;
	s2 =	sadd.s32 s3, s2  }
0x5: {  	s2 =	sadd.s32 s2, s16  }
0x6: {  	[smem:$0x3FC5] =	sst s2  }
0x7: {  	_ = 	snop  }
0x8: {  	s2 =	sld [smem:$0x3FD0];
	_ =	sdelay $0x2  }
0x9: {  	s17 =	simm.s32 $0xB;
	s4 =	simm.s32 $0x10  }
0xa: {  	[smem:s4], [sflag:s17] =	dma.local [hbm:s2], $0x1  }
0xb: {  	_ =	swait.eq [sflag:s17], $0x1  }
0xc: {  	[sflag:s17] =	ssyncset.done $0x0  }
0xd: {  	[sflag:s17] =	ssyncadd.s32 $0xFFFFFFFF  }
0xe: {  	s18 =	sld [smem:$0x11];
	(tm) =	ssettm $0x1  }
0xf: {  	s19 =	sld [smem:$0x3FFB];
	_ =	sdelay $0x3  }
0x10: {  	_ =	strace s19  }
0x11: {  	s2 =	sld [smem:$0x3FFC];
	_ =	sdelay $0x3  }
0x12: {  	_ =	strace s2  }
0x13: {  	s2 =	sld [smem:$0x3FFD];
	_ =	sdelay $0x3  }
0x14: {  	_ =	strace s2  }
0x15: {  	_ =	strace $0x8FFFFFFF  }
0x16: {  	s20 =	sld [smem:$0x3FDB];
	_ =	sdelay $0x1  }
0x17: {  	s21 =	simm.s32 $_scs_section_size  }
0x18: {  	s5 =	simm.s32 $_size__tile_overlayer_lowered;
	s6 =	simm.s32 $_tile_overlayer_lowered  }
0x19: {  	s7 =	simm.s32 $0x1BFF;
	s22 =	sshll.u32 s6, $0x1;
	s4 =	sadd.s32 s21, s20  }
0x1a: {  	s23 =	simm.s32 $0x0;
	s5 =	sshll.u32 s5, $0x1;
	s6 =	sadd.s32 s22, s4  }
0x1b: {  	[timem:s23], [sflag:s7] =	dma.local [hbm:s6], s5  }
0x1c: {  	_ =	swait.ge [sflag:s7], s5  }
0x1d: {  	s5 =	ssub.s32 $0x0, s5;
	[sflag:s7] =	ssyncset.done $0x0  }
0x1e: {  	[sflag:s7] =	ssyncadd.s32 s5;
	_ =	sdelay $0x1  }
0x1f: {  	s24 =	simm.s32 $0x1B8B  }
0x20: {  	_ =	swait.ge [sflag:s24], $0x1  }
0x21: {  	[sflag:s24] =	ssyncset.done $0x0  }
0x22: {  	[sflag:s24] =	ssyncadd.s32 $0xFFFFFFFF  }
0x23: {  	s5 =	sld [smem:$0x0]  }
0x24: {  	s6 =	sand.u32 $0xFFFFFFFE, s1  }
0x25: {  	p0 =	sne.s32 s1, s6  }
0x26: {  	s6 =	sshll.u32 @p0 s6, $0xE  }
0x27: {  	s6 =	sadd.s32 @p0 $0x11B8D, s6;
	s7 =	sshll.u32 @p0 s5, $0x11  }
0x28: {  	s6 =	sor.u32 @p0 s7, s6  }
0x29: {  	[sflag:s6] =	ssyncadd.remote.s32 @p0 $0x1;
	_ =	sdelay $0x1  }
0x2a: {  	s6 =	simm.s32 @p0 $0x1B8D  }
0x2b: {  	_ =	swait.eq @p0 [sflag:s6], $0x1  }
0x2c: {  	[sflag:s6] =	ssyncadd.s32 @p0 $0xFFFFFFFF  }
0x2d: {  	s7 =	sshll.u32 @!p0 s1, $0xE  }
0x2e: {  	s7 =	sor.u32 @!p0 $0x4000, s7;
	s6 =	simm.s32 @!p0 $0x1B8D  }
0x2f: {  	s5 =	sshll.u32 @!p0 s5, $0x11;
	s7 =	sadd.s32 @!p0 $0x11B8D, s7;
	_ =	swait.eq @!p0 [sflag:s6], $0x1  }
0x30: {  	s5 =	sor.u32 @!p0 s5, s7;
	[sflag:s6] =	ssyncadd.s32 @!p0 $0xFFFFFFFF  }
0x31: {  	s26 =	simm.s32 $0x1B8E;
	s25 =	sld [smem:$0x3FFE];
	[sflag:s5] =	ssyncadd.remote.s32 @!p0 $0x1  }
0x32: {  	s27 =	simm.s32 $execute0_lowered;
	[smem:$0x3FD2] =	sst s26  }
0x33: {  	s6 =	sshll.u32 s27, $0x1;
	_ =	strace $0x8000004C;
	[dreg:$0x1] =	wrdreg $0xFFFFFFFF  }
0x34: {  	s28 =	simm.s32 $_size_execute0_lowered;
	s4 =	sadd.s32 s4, s6;
	[dreg:$0x0] =	wrdreg $0x0  }
0x35: {  	s6 =	sshll.u32 s28, $0x1;
	[dreg:$0x2] =	wrdreg s4  }
0x36: {  	[dreg:$0x3] =	wrdreg s6  }
0x37: {  	[dreg:$0x4] =	wrdreg $0xC0  }
0x38: {  	_ =	task [dreg:s23], $0x5FFFF  }
0x39: {  	[dreg:$0x1] =	wrdreg $0xFFFFFFFF  }
0x3a: {  	[dreg:$0x0] =	wrdreg $0x60  }
0x3b: {  	[dreg:$0x2] =	wrdreg s25  }
0x3c: {  	[dreg:$0x3] =	wrdreg s18  }
0x3d: {  	[dreg:$0x4] =	wrdreg $0x9  }
0x3e: {  	_ =	task.clear_ibuf [dreg:s23], $0x5FFFF;
	_ =	strace $0x9000004C  }
0x3f: {  	s29 =	simm.s32 $0x9;
	_ =	strace $0x8000004E  }
0x40: {  	_ =	swait.ge [sflag:s29], $0x1  }
0x41: {  	[sflag:s29] =	ssyncadd.s32 $0xFFFFFFFF  }
0x42: {  	_ =	strace $0x9000004E  }
0x43: {  	_ =	sfence  }
0x44: {  	s30 =	sld [smem:$0x0];
	_ =	sdelay $0x2  }
0x45: {  	s31 =	sshll.u32 s1, $0xD;
	s1 =	sshrl.u32 s1, $0x2  }
0x46: {  	s4 =	sand.u32 $0x4000, s31;
	s1 =	sadd.s32 s1, s30  }
0x47: {  	s0 =	sor.u32 s4, s0;
	s1 =	sshll.u32 s1, $0x11  }
0x48: {  	s0 =	sor.u32 s1, s0  }
0x49: {  	s0 =	sadd.s32 $0x8F2B, s0  }
0x4a: {  	[sflag:s0] =	ssyncadd.remote.s32 $0x1  }
0x4b: {  	_ =	sfence.sel $0xFFFF  }
0x4c: {  	[dreg:$0x0] =	wrdreg $0xFFFFFFFF;
	(pc) =	sbr.abs _section_cstart, $3  }
0x4d: {  	[dreg:$0x1] =	wrdreg $0xFFFFFFFF  }
0x4e: {  	_ =	task.clear_ibuf [dreg:s23], $0x2FFFF;
	_ =	strace $0x9FFFFFFF  }
0x4f: {  	(tm) =	ssettm $0x7FFFFFFF  }
tec
execute0_lowered:
.L_overlay_start_1:
0x0: {  	(tag) =	ssettag $0x1  }
0x1: {  	s4 =	rddreg [dreg:$0x0]  }
0x2: {  	s2 =	rddreg [dreg:$0x1]  }
0x3: {  	s0 =	stileid.u32;
	s1 =	rddreg [dreg:$0x2];
	_ =	strace $0x8000004D  }
0x4: {  	s5 =	srdreg.scid;
	s10 =	simm.s32 $0x2;
	s17 =	simm.s32 $0x0  }
0x5: {  	s18 =	simm.s32 $0x0;
	s19 =	simm.s32 $0x0;
	s11 =	simm.s32 $0x0  }
0x6: {  	s12 =	simm.s32 $0x0;
	s13 =	simm.s32 $0x0;
	s3 =	sshll.u32 s0, $0x7  }
0x7: {  	s14 =	simm.s32 $0x0;
	s5 =	sshll.u32 s5, $0x4;
	s3 =	sand.u32 $0x380, s3  }
0x8: {  	s16 =	simm.s32 $0x0;
	s5 =	sand.u32 $0x10, s5;
	s6 =	ssub.s32 $0x400, s3  }
0x9: {  	s4 =	sadd.s32 $0x381200, s4;
	s8 =	sor.u32 s0, s5;
	s7 =	sand.u32 $0x380, s6  }
0xa: {  	s5 =	simm.s32 $0x1;
	p0 =	sne.s32 s7, $0x0;
	s7 =	simm.s32 $0x1  }
.Ltmp0:
0xb: {  	s6 =	sshrl.u32 s6, $0xA;
	s7 =	simm.s32 @!p0 $0x0;
	(pc) =	sbr.rel .LBB1_1-.Ltmp0, $4  }
0xc: {  	s15 =	smov.u32 s3;
	s9 =	sshll.u32 s8, $0x4;
	s6 =	sadd.s32 s7, s6  }
0xd: {  	[sflag:s5] =	ssyncpa.u1 $0x0;
	s8 =	sshll.u32 s8, $0x7;
	s6 =	smul.u32 $0x32, s6  }
0xe: {  	[sflag:s10] =	ssyncpa.u1 $0x0;
	s8 =	sand.u32 $0xC00, s8;
	s10 =	simm.s32 $0x2000  }
0xf: {  	p0 =	por $0x0, $0x0;
	s7 =	sand.u32 $0x180, s9;
	s9 =	sor.u32 $0x1, s6  }
.LBB1_4:
0x10: {  	s24 =	sshra.s32 s24, $0x2;
	s25 =	sshrl.u32 s13, $0x7;
	p1 =	sgt.s32 s13, $0x380  }
0x11: {  	s26 =	sshra.s32 s13, $0x1F;
	s28 =	smov.u32 s12;
	s31 =	sshra.s32 s12, $0x1F  }
0x12: {  	s23 =	sadd.s32 s24, s23;
	s30 =	sadd.s32 s25, s11;
	s25 =	smov.u32 s13  }
0x13: {  	v5 =	vld [tilespmem:s21+$0xFFFFFFD0];
	[tilespmem:s22+$0x2040 ss:$0x81] =	vst.msk $0xffff, v4;
	s26 =	sand.u32 s26, s13;
	s24 =	sand.u32 $0x3FFFFF, s30;
	s25 =	simm.s32 @!p1 $0x380  }
0x14: {  	v58 =	vld [tilespmem:s21+$0xFFFFFFE0];
	[tilespmem:s22+$0x2850 ss:$0x81] =	vst.msk $0xffff, v3;
	p1 =	sgt.s32 s12, $0x31;
	s27 =	smulhi.u32 $0x9D89D9, s24;
	s25 =	ssub.s32 s25, s26  }
0x15: {  	v59 =	vld [tilespmem:s21+$0xFFFFFFF0];
	[tilespmem:s22+$0x3060 ss:$0x81] =	vst.msk $0xffff, v2;
	s28 =	simm.s32 @!p1 $0x31;
	s26 =	sand.u32 s31, s12;
	p1 =	sgt.s32 s11, $0x120  }
0x16: {  	v60 =	vld [tilespmem:s21+$0x0];
	[tilespmem:s22+$0x0 ss:$0x81] =	vst.msk $0xffff, v1;
	s29 =	ssub.s32 s28, s26;
	s26 =	smov.u32 s11;
	s30 =	sadd.s32 $0xFFFFFC80, s25  }
0x17: {  	v61 =	vld [tilespmem:s21+$0x10];
	[tilespmem:s23+$0x3870 ss:$0x81] =	vst.msk $0xffff, v0;
	s25 =	ssub.s32 $0x400, s25;
	s26 =	simm.s32 @!p1 $0x120;
	p1 =	sgt.s32 s30, $0x7F  }
0x18: {  	v62 =	vld [tilespmem:s21+$0x20];
	s27 =	smul.u32 $0x1A0, s27;
	[tilespmem:s23+$0x810 ss:$0x81] =	vst.msk $0xffff, v5;
	s26 =	ssub.s32 $0x1A0, s26;
	s25 =	simm.s32 @p1 $0x0  }
0x19: {  	v63 =	vld [tilespmem:s21+$0xFFFFFFC0];
	s28 =	sshrl.u32 s13, $0x3;
	s31 =	sadd.s32 $0xFFFFFFCF, s29;
	[tilespmem:s23+$0x1020 ss:$0x81] =	vst.msk $0xffff, v58;
	s25 =	smul.u32 s26, s25  }
0x1a: {  	s21 =	ssub.s32 $0x32, s29;
	[tilespmem:s23+$0x1830 ss:$0x81] =	vst.msk $0xffff, v59;
	p1 =	sgt.s32 s31, $0x0;
	s26 =	smul.u32 $0xD000, s12  }
0x1b: {  	[tilespmem:s23+$0x2040 ss:$0x81] =	vst.msk $0xffff, v60;
	s22 =	sand.u32 $0xF, s28;
	s29 =	sand.u32 $0x7, s13;
	s21 =	simm.s32 @p1 $0x0  }
0x1c: {  	[tilespmem:s23+$0x2850 ss:$0x81] =	vst.msk $0xffff, v61;
	s24 =	ssub.s32 s24, s27;
	s21 =	smul.u32 s21, s25;
	s25 =	sadd.s32 s2, s26  }
0x1d: {  	[tilespmem:s23+$0x3060 ss:$0x81] =	vst.msk $0xffff, v62;
	s30 =	sshll.u32 s29, $0x12;
	s24 =	sshll.u32 s24, $0x7;
	s22 =	sadd.s32 s22, s25  }
0x1e: {  	[tilespmem:s23+$0x0 ss:$0x81] =	vst.msk $0xffff, v63;
	s31 =	sor.u32 $0x400, s30;
	s21 =	sand.u32 $0x3FFFFFFF, s21;
	s22 =	sadd.s32 s24, s22  }
0x1f: {  	[hbm4b:s22+s31] =	stream.strided.scatter [tilespmem:s20], [sflag:$0x2], s21, s10, s31, $0x20;
	[tilespmem:$0x10100] =	vst v63  }
.LBB1_5:
0x20: {  	p1 =	slt.u32 s16, $0x2;
	s20 =	smov.u32 s18  }
0x21: {  	s21 =	smov.u32 s19;
	p2 =	sgt.s32 @!p1 s18, $0x31;
	p3 =	sgt.s32 @!p1 s19, $0x380  }
0x22: {  	s22 =	sshra.s32 @!p1 s19, $0x1F;
	p2 =	por !p2, p1;
	p3 =	por !p3, p1  }
0x23: {  	s19 =	sand.u32 @!p1 s22, s19;
	s20 =	simm.s32 @p2 $0x31;
	s21 =	simm.s32 @p3 $0x380  }
0x24: {  	p2 =	sgt.s32 @!p1 s17, $0x120;
	s19 =	ssub.s32 @!p1 s21, s19;
	s21 =	sshra.s32 @!p1 s18, $0x1F  }
0x25: {  	p2 =	por !p2, p1;
	s18 =	sand.u32 @!p1 s21, s18;
	s21 =	sadd.s32 @!p1 $0xFFFFFC80, s19  }
0x26: {  	s17 =	simm.s32 @p2 $0x120;
	s18 =	ssub.s32 @!p1 s20, s18;
	p2 =	sgt.s32 @!p1 s21, $0x7F  }
0x27: {  	s19 =	ssub.s32 @!p1 $0x400, s19;
	s20 =	sadd.s32 @!p1 $0xFFFFFFCF, s18;
	p2 =	por !p2, p1  }
0x28: {  	s17 =	ssub.s32 @!p1 $0x1A0, s17;
	s19 =	simm.s32 @!p2 $0x0;
	p2 =	sgt.s32 @!p1 s20, $0x0  }
0x29: {  	s18 =	ssub.s32 @!p1 $0x32, s18;
	p2 =	por !p2, p1;
	s17 =	smul.u32 @!p1 s17, s19  }
0x2a: {  	s22 =	smov.u32 s15;
	s20 =	sadd.s32 $0x1, s14;
	s18 =	simm.s32 @!p2 $0x0  }
0x2b: {  	p2 =	sgt.s32 s20, $0x31;
	s17 =	smul.u32 @!p1 s18, s17;
	s18 =	sadd.s32 $0x400, s15  }
0x2c: {  	s24 =	sadd.s32 $0x1, s16;
	s22 =	smov.u32 @p2 s18  }
0x2d: {  	p0 =	por !p0, !p0;
	s20 =	simm.s32 @p2 $0x0;
	p2 =	sgt.s32 s22, $0x3FF  }
0x2e: {  	s21 =	simm.s32 @!p1 $0x2;
	s22 =	smov.u32 @p2 s3;
	p2 =	sne.s32 s16, s9  }
.Ltmp1:
0x2f: {  	s19 =	smov.u32 s13;
	s13 =	smov.u32 s15;
	(pc) =	sbr.rel @!p2 .LBB1_6-.Ltmp1, $4  }
0x30: {  	s18 =	smov.u32 s12;
	s12 =	smov.u32 s14;
	s17 =	sand.u32 @!p1 $0x3FFFFFFF, s17  }
0x31: {  	s14 =	smov.u32 s20;
	_ =	swait.ge @!p1 [sflag:s21], s17;
	s23 =	ssub.s32 @!p1 $0x0, s17  }
0x32: {  	s17 =	smov.u32 s11;
	s11 =	smov.u32 s7;
	[sflag:s21] =	ssyncset.done @!p1 $0x0  }
0x33: {  	s16 =	smov.u32 s24;
	s15 =	smov.u32 s22;
	[sflag:s21] =	ssyncadd.s32 @!p1 s23  }
.LBB1_1:
0x34: {  	p1 =	sge.u32 s16, s6  }
0x35: {  	s20 =	sshll.u32 @!p1 s14, $0x9  }
0x36: {  	s21 =	sshll.u32 @!p1 s14, $0x7;
	s20 =	sand.u32 @!p1 $0xFFFFF000, s20  }
0x37: {  	s21 =	sand.u32 @!p1 $0x200, s21;
	s20 =	sor.u32 @!p1 s8, s20  }
0x38: {  	s20 =	sor.u32 @!p1 s21, s20  }
0x39: {  	s20 =	sshrl.u32 @!p1 s20, $0x9  }
0x3a: {  	s21 =	smulhi.u32 @!p1 $0x4924925, s20;
	_ =	sdelay $0x1  }
0x3b: {  	s21 =	smul.u32 @!p1 $0x38, s21  }
0x3c: {  	s31 =	sadd.s32 $0xFFFFFFFF, s16;
	s22 =	smul.u32 @!p1 $0xE00, s15  }
0x3d: {  	s23 =	sxor.u32 @!p1 $0xFFFFFFFF, s16;
	s20 =	ssub.s32 @!p1 s20, s21;
	s21 =	sshll.u32 @!p1 s14, $0x4  }
0x3e: {  	s23 =	sshll.u32 @!p1 s23, $0xE;
	s22 =	sadd.s32 @!p1 s4, s22;
	s21 =	sand.u32 @!p1 $0x30, s21  }
0x3f: {  	s23 =	sand.u32 @!p1 $0x4000, s23;
	s20 =	sshll.u32 @!p1 s20, $0x6;
	s21 =	sadd.s32 @!p1 s21, s22  }
0x40: {  	s22 =	simm.s32 @!p1 $0x7000;
	s20 =	sadd.s32 @!p1 s20, s21;
	s21 =	simm.s32 @!p1 $0x80  }
0x41: {  	[tilespmem:s23], [sflag:$0x1] =	stream.strided.gather @!p1 [hbm4b:s20+s21], $0x4000, s22, s21, $0x38;
	[tilespmem:$0x10100] =	vst v63  }
0x42: {  	p1 =	sge.u32 s31, s6  }
.Ltmp2:
0x43: {  	_ = 	snop;
	(pc) =	sbr.rel @p1 .LBB1_5-.Ltmp2, $1  }
0x44: {  	_ =	sdelay $0x3  }
0x45: {  	s20 =	simm.s32 $0x1  }
0x46: {  	_ =	swait.ge [sflag:s5], $0x4000;
	s20 =	simm.s32 @!p0 $0x0  }
0x47: {  	[sflag:s5] =	ssyncset.done $0x0;
	s21 =	sshll.u32 s20, $0xE  }
0x48: {  	[sflag:s5] =	ssyncadd.s32 $0xFFFFC000;
	s21 =	sor.u32 $0x40, s21  }
0x49: {  	s20 =	smul.u32 $0x10200, s20;
	v0 =	vld [tilespmem:s21+$0x30]  }
0x4a: {  	v1 =	vld [tilespmem:s21+$0xFFFFFFD0]  }
0x4b: {  	s20 =	sshrl.u32 s20, $0x2;
	v5 =	vld [tilespmem:s21+$0xFFFFFFE0]  }
0x4c: {  	v6 =	vld [tilespmem:s21+$0xFFFFFFF0];
	s23 =	sor.u32 $0x8000, s20  }
0x4d: {  	s31 =	sand.u32 $0x1, s16;
	v4 =	vld [tilespmem:s21+$0x0];
	s22 =	sadd.s32 $0x0, s23  }
0x4e: {  	v3 =	vld [tilespmem:s21+$0x10];
	s20 =	smul.u32 $0x10200, s31;
	[tilespmem:s22+$0x3870 ss:$0x81] =	vst.msk $0xffff, v0  }
0x4f: {  	v2 =	vld [tilespmem:s21+$0x20];
	[tilespmem:s22+$0x810 ss:$0x81] =	vst.msk $0xffff, v1  }
0x50: {  	s20 =	sshrl.u32 s20, $0x2;
	v1 =	vld [tilespmem:s21+$0xFFFFFFC0];
	[tilespmem:s22+$0x1020 ss:$0x81] =	vst.msk $0xffff, v5;
	s21 =	sadd.s32 $0x80, s21  }
0x51: {  	s24 =	simm.s32 $0x4;
	s25 =	simm.s32 $0x8;
	s20 =	sor.u32 $0x8000, s20;
	[tilespmem:s22+$0x1830 ss:$0x81] =	vst.msk $0xffff, v6;
	v0 =	vld [tilespmem:s21+$0x30]  }
.LBB1_3:
0x52: {  	p1 =	sne.s32 s25, $0x1FC;
	v5 =	vld [tilespmem:s21+$0xFFFFFFD0];
	[tilespmem:s22+$0x2040 ss:$0x81] =	vst.msk $0xffff, v4  }
0x53: {  	v6 =	vld [tilespmem:s21+$0xFFFFFFE0];
	[tilespmem:s22+$0x2850 ss:$0x81] =	vst.msk $0xffff, v3  }
0x54: {  	s26 =	sshra.s32 s24, $0x2;
	s24 =	smov.u32 s25;
	v7 =	vld [tilespmem:s21+$0xFFFFFFF0];
	[tilespmem:s22+$0x3060 ss:$0x81] =	vst.msk $0xffff, v2  }
.Ltmp3:
0x55: {  	v4 =	vld [tilespmem:s21+$0x0];
	[tilespmem:s22+$0x0 ss:$0x81] =	vst.msk $0xffff, v1;
	s22 =	sadd.s32 s26, s23;
	(pc) =	sbr.rel @p1 .LBB1_3-.Ltmp3, $4  }
0x56: {  	v3 =	vld [tilespmem:s21+$0x10];
	[tilespmem:s22+$0x3870 ss:$0x81] =	vst.msk $0xffff, v0  }
0x57: {  	[tilespmem:s22+$0x810 ss:$0x81] =	vst.msk $0xffff, v5;
	v2 =	vld [tilespmem:s21+$0x20]  }
0x58: {  	v1 =	vld [tilespmem:s21+$0xFFFFFFC0];
	[tilespmem:s22+$0x1020 ss:$0x81] =	vst.msk $0xffff, v6;
	s21 =	sadd.s32 $0x80, s21  }
0x59: {  	s25 =	sadd.s32 $0x4, s25;
	v0 =	vld [tilespmem:s21+$0x30];
	[tilespmem:s22+$0x1830 ss:$0x81] =	vst.msk $0xffff, v7  }
.Ltmp4:
0x5a: {  	_ = 	snop;
	(pc) =	sbr.rel .LBB1_4-.Ltmp4, $1  }
0x5b: {  	_ =	sdelay $0x3  }
.LBB1_6:
0x5c: {  	_ =	sfence.sel $0x180000  }
0x5d: {  	s2 =	simm.s32 $0x1;
	[bflag:$0x0] =	sbarrier.arrive $0xFFFF  }
0x5e: {  	s31 =	simm.s32 $0x2;
	[sflag:s2] =	ssyncpa.u1 $0x1  }
0x5f: {  	[sflag:s31] =	ssyncpa.u1 $0x1  }
0x60: {  	p0 =	sne.s32 s0, $0x0;
	_ =	strace $0x9000004D  }
0x61: {  	s0 =	sadd.s32 @!p0 $0x100000, s1;
	[bflag:$0x2] =	sbarrier.arrive $0xFFFF  }
0x62: {  	[sflag:s0] =	ssyncadd.tile.s32 @!p0 $0x1;
	_ =	shalt  }
.Lfunc_end1:
_tile_overlayer_lowered:
.L_overlay_start_2:
0x63: {  	(tag) =	ssettag $0x2  }
0x64: {  	s0 =	rddreg [dreg:$0x0];
	s2 =	stileid.u32  }
0x65: {  	s1 =	rddreg [dreg:$0x1];
	p0 =	sne.s32 s2, $0x0  }
0x66: {  	s3 =	rddreg [dreg:$0x2];
	[bflag:$0x3] =	sbarrier.arrive $0xFFFF;
	s2 =	simm.s32 @!p0 $0x1C01  }
0x67: {  	[timem:s3], [sflag:s2] =	dma.local @!p0 [hbm:s0], s1  }
0x68: {  	s0 =	simm.s32 @!p0 $0x1  }
0x69: {  	_ =	swait.ge @!p0 [sflag:s0], s1  }
0x6a: {  	s1 =	ssub.s32 @!p0 $0x0, s1;
	[sflag:s0] =	ssyncset.done @!p0 $0x0  }
0x6b: {  	[sflag:s0] =	ssyncadd.s32 @!p0 s1  }
0x6c: {  	[bflag:$0x3] =	sbarrier.arrive $0xFFFF  }
0x6d: {  	_ =	shalt  }

</sc_bundles>
